<compile_context>
chip_gen: v7x
topology: tpu7x:2x2x1
jax: 0.10.2.dev20260603
libtpu: 0.0.44.dev20260713+nightly
codegen_flags: <defaults>
</compile_context>

<pallas_src>
import functools

import jax
import jax.numpy as jnp
from jax import lax
from jax.experimental import pallas as pl
from jax.experimental.pallas import tpu as pltpu
from jax.experimental.pallas import tpu_sc as plsc

GRP = 8


def _emb_kernel(b, s, d, per_w):
    mesh = plsc.VectorSubcoreMesh(core_axis_name="c", subcore_axis_name="s")
    info = plsc.get_sparse_core_info()
    nc = info.num_cores
    n_groups = per_w // GRP
    s_pad = (s + 7) // 8 * 8
    d_pad = (d + 127) // 128 * 128

    @functools.partial(
        pl.kernel,
        mesh=mesh,
        compiler_params=pltpu.CompilerParams(use_tc_tiling_on_sc=False),
        out_type=jax.ShapeDtypeStruct((b, s_pad, d_pad), jnp.float32),
        scratch_types=[
            pltpu.VMEM((2, GRP, s), jnp.int32),
            pltpu.VMEM((2, GRP, s, d), jnp.float32),
            pltpu.SemaphoreType.DMA,
            pltpu.SemaphoreType.DMA,
            pltpu.SemaphoreType.DMA,
            pltpu.SemaphoreType.DMA,
            pltpu.SemaphoreType.DMA,
        ],
    )
    def emb(ids_hbm, table_hbm, out_hbm, idx_v, rows_v,
            isem0, isem1, gsem0, gsem1, wsem):
        wid = lax.axis_index("s") * nc + lax.axis_index("c")
        tok0 = wid * per_w
        isems = (isem0, isem1)
        gsems = (gsem0, gsem1)


        def stage_idx(g, bank):
            pltpu.make_async_copy(
                ids_hbm.at[pl.ds(tok0 + g * GRP, GRP)], idx_v.at[bank],
                isems[bank],
            ).start()

        def wait_idx(bank):
            pltpu.make_async_copy(
                ids_hbm.at[pl.ds(tok0, GRP)], idx_v.at[bank], isems[bank]
            ).wait()

        def fire_gathers(bank):
            for t in range(GRP):
                pltpu.make_async_copy(
                    table_hbm.at[idx_v.at[bank, t]], rows_v.at[bank, t],
                    gsems[bank],
                ).start()

        def drain_gathers(bank):
            for t in range(GRP):
                pltpu.make_async_copy(
                    table_hbm.at[idx_v.at[bank, t]], rows_v.at[bank, t],
                    gsems[bank],
                ).wait()

        stage_idx(0, 0)
        stage_idx(1, 1)
        wait_idx(0)
        fire_gathers(0)

        def half(g, bank):
            @pl.when(g > 0)
            def _():
                pltpu.make_async_copy(
                    rows_v.at[1 - bank],
                    out_hbm.at[pl.ds(tok0, GRP), pl.ds(0, s), pl.ds(0, d)],
                    wsem,
                ).wait()

            drain_gathers(bank)

            @pl.when(g + 1 < n_groups)
            def _():
                wait_idx(1 - bank)
                fire_gathers(1 - bank)

            @pl.when(g + 2 < n_groups)
            def _():
                stage_idx(g + 2, bank)

            pltpu.make_async_copy(
                rows_v.at[bank],
                out_hbm.at[pl.ds(tok0 + g * GRP, GRP), pl.ds(0, s), pl.ds(0, d)],
                wsem,
            ).start()

        def body(g, _):
            is_even = lax.rem(g, 2) == 0

            @pl.when(is_even)
            def _():
                half(g, 0)

            @pl.when(jnp.logical_not(is_even))
            def _():
                half(g, 1)

            return 0

        lax.fori_loop(0, n_groups, body, 0)

        pltpu.make_async_copy(
            rows_v.at[(n_groups - 1) % 2],
            out_hbm.at[pl.ds(tok0, GRP), pl.ds(0, s), pl.ds(0, d)],
            wsem,
        ).wait()

    return emb


def kernel(token_ids, embdM):
    b, s = token_ids.shape
    d = embdM.shape[1]
    info = plsc.get_sparse_core_info()
    nw = info.num_cores * info.num_subcores
    per_w = b // nw

    out_p = _emb_kernel(b, s, d, per_w)(token_ids.astype(jnp.int32), embdM)
    return out_p[:, :s, :d]

# --- scband reference (transcript-rebuilt; emitter-appended) ---
"""Pipeline reference for scband-embedding-43654047596559 (READ-ONLY COPY).

The authoritative reference and input builder live on the scoring server;
editing this copy changes nothing except your own understanding.
"""

import jax, jax.numpy as jnp
import numpy as np

NUM_EMBEDDINGS = 1000000
EMBEDDING_DIM = 64

def setup_inputs(seed: int = 0) -> dict:
    key = jax.random.key(seed)
    k1, k2 = jax.random.split(key)
    token_ids = jax.random.randint(k1, (16384, 50), 0, NUM_EMBEDDINGS, dtype=jnp.int64 if jax.config.jax_enable_x64 else jnp.int32)
    std = (2.0 / (NUM_EMBEDDINGS + EMBEDDING_DIM)) ** 0.5
    embdM = jax.random.truncated_normal(k2, -3.0, 3.0, (NUM_EMBEDDINGS, EMBEDDING_DIM), dtype=jnp.float32) * std
    return {"token_ids": token_ids, "embdM": embdM}

def reference(token_ids, embdM):
    # Faithful translation of: self.embdM[token_ids]
    return jnp.take(embdM, token_ids, axis=0)

if __name__ == "__main__":
    import jax
    _d = setup_inputs()
    print(jax.jit(kernel)(*tuple(_d.values())))

</pallas_src>

<mosaic_0001>
#map = affine_map<(d0, d1) -> (0, 0)>
#map1 = affine_map<(d0, d1) -> (0, 0, 0)>
module attributes {stable_mosaic.version = 14 : i64} {
  func.func @emb(%arg0: i32, %arg1: i32, %arg2: memref<16384x50xi32, #tpu.memory_space<hbm>>, %arg3: memref<1000000x64xf32, #tpu.memory_space<hbm>>, %arg4: memref<16384x56x128xf32, #tpu.memory_space<hbm>>, %arg5: memref<2x8x50xi32, #tpu.memory_space<vmem>>, %arg6: memref<2x8x50x64xf32, #tpu.memory_space<vmem>>, %arg7: memref<!tpu.dma_semaphore, #tpu.memory_space<semaphore_mem>>, %arg8: memref<!tpu.dma_semaphore, #tpu.memory_space<semaphore_mem>>, %arg9: memref<!tpu.dma_semaphore, #tpu.memory_space<semaphore_mem>>, %arg10: memref<!tpu.dma_semaphore, #tpu.memory_space<semaphore_mem>>, %arg11: memref<!tpu.dma_semaphore, #tpu.memory_space<semaphore_mem>>) attributes {dimension_semantics = [#tpu.dimension_semantics<core_parallel>, #tpu.dimension_semantics<subcore_parallel>], iteration_bounds = array<i64: 2, 16>, scalar_prefetch = 0 : i64, scratch_operands = 7 : i64, tpu.core_type = #tpu.core_type<sc_vector_subcore>, window_params = [{transform_indices = #map}, {transform_indices = #map}, {transform_indices = #map1}]} {
    %mul3A = arith.constant 2 : i32
    %mul3A_0 = arith.muli %arg1, %mul3A : i32
    %add3A = arith.addi %mul3A_0, %arg0 : i32
    %mul3A_1 = arith.constant 512 : i32
    %mul3A_2 = arith.muli %add3A, %mul3A_1 : i32
    %add3A_3 = arith.constant 0 : i32
    %add3A_4 = arith.addi %mul3A_2, %add3A_3 : i32
    %dma_start3A = arith.constant 0 : i32
    %dma_start3A_5 = arith.constant 0 : i32
    %dma_start3A_6 = arith.constant 0 : i32
    %dma_start3A_7 = tpu.memref_slice %arg5[%dma_start3A, %dma_start3A_5, %dma_start3A_6] : memref<2x8x50xi32, #tpu.memory_space<vmem>> -> memref<1x8x50xi32, #tpu.memory_space<vmem>>
    %dma_start3A_8 = tpu.memref_squeeze %dma_start3A_7 : memref<1x8x50xi32, #tpu.memory_space<vmem>> -> memref<8x50xi32, #tpu.memory_space<vmem>>
    %dma_start3A_9 = arith.constant 0 : i32
    %dma_start3A_10 = tpu.memref_slice %arg2[%add3A_4, %dma_start3A_9] : memref<16384x50xi32, #tpu.memory_space<hbm>> -> memref<8x50xi32, #tpu.memory_space<hbm>>
    %dma_start3A_11 = arith.constant 0 : i32
    %dma_start3A_12 = arith.constant 0 : i32
    %dma_start3A_13 = tpu.memref_slice %arg5[%dma_start3A, %dma_start3A_11, %dma_start3A_12] : memref<2x8x50xi32, #tpu.memory_space<vmem>> -> memref<1x8x50xi32, #tpu.memory_space<vmem>>
    %dma_start3A_14 = tpu.memref_squeeze %dma_start3A_13 : memref<1x8x50xi32, #tpu.memory_space<vmem>> -> memref<8x50xi32, #tpu.memory_space<vmem>>
    %dma_start3A_15 = arith.constant 0 : i32
    %dma_start3A_16 = tpu.memref_slice %arg2[%add3A_4, %dma_start3A_15] : memref<16384x50xi32, #tpu.memory_space<hbm>> -> memref<8x50xi32, #tpu.memory_space<hbm>>
    tpu.enqueue_dma source(%dma_start3A_16 : memref<8x50xi32, #tpu.memory_space<hbm>>) target(%dma_start3A_14 : memref<8x50xi32, #tpu.memory_space<vmem>>) target_semaphore(%arg7 : memref<!tpu.dma_semaphore, #tpu.memory_space<semaphore_mem>>)
    %add3A_17 = arith.constant 8 : i32
    %add3A_18 = arith.addi %mul3A_2, %add3A_17 : i32
    %dma_start3A_19 = arith.constant 1 : i32
    %dma_start3A_20 = arith.constant 0 : i32
    %dma_start3A_21 = arith.constant 0 : i32
    %dma_start3A_22 = tpu.memref_slice %arg5[%dma_start3A_19, %dma_start3A_20, %dma_start3A_21] : memref<2x8x50xi32, #tpu.memory_space<vmem>> -> memref<1x8x50xi32, #tpu.memory_space<vmem>>
    %dma_start3A_23 = tpu.memref_squeeze %dma_start3A_22 : memref<1x8x50xi32, #tpu.memory_space<vmem>> -> memref<8x50xi32, #tpu.memory_space<vmem>>
    %dma_start3A_24 = arith.constant 0 : i32
    %dma_start3A_25 = tpu.memref_slice %arg2[%add3A_18, %dma_start3A_24] : memref<16384x50xi32, #tpu.memory_space<hbm>> -> memref<8x50xi32, #tpu.memory_space<hbm>>
    %dma_start3A_26 = arith.constant 0 : i32
    %dma_start3A_27 = arith.constant 0 : i32
    %dma_start3A_28 = tpu.memref_slice %arg5[%dma_start3A_19, %dma_start3A_26, %dma_start3A_27] : memref<2x8x50xi32, #tpu.memory_space<vmem>> -> memref<1x8x50xi32, #tpu.memory_space<vmem>>
    %dma_start3A_29 = tpu.memref_squeeze %dma_start3A_28 : memref<1x8x50xi32, #tpu.memory_space<vmem>> -> memref<8x50xi32, #tpu.memory_space<vmem>>
    %dma_start3A_30 = arith.constant 0 : i32
    %dma_start3A_31 = tpu.memref_slice %arg2[%add3A_18, %dma_start3A_30] : memref<16384x50xi32, #tpu.memory_space<hbm>> -> memref<8x50xi32, #tpu.memory_space<hbm>>
    tpu.enqueue_dma source(%dma_start3A_31 : memref<8x50xi32, #tpu.memory_space<hbm>>) target(%dma_start3A_29 : memref<8x50xi32, #tpu.memory_space<vmem>>) target_semaphore(%arg8 : memref<!tpu.dma_semaphore, #tpu.memory_space<semaphore_mem>>)
    %dma_wait3A = arith.constant 0 : i32
    %dma_wait3A_32 = arith.constant 0 : i32
    %dma_wait3A_33 = arith.constant 0 : i32
    %dma_wait3A_34 = tpu.memref_slice %arg5[%dma_wait3A, %dma_wait3A_32, %dma_wait3A_33] : memref<2x8x50xi32, #tpu.memory_space<vmem>> -> memref<1x8x50xi32, #tpu.memory_space<vmem>>
    %dma_wait3A_35 = tpu.memref_squeeze %dma_wait3A_34 : memref<1x8x50xi32, #tpu.memory_space<vmem>> -> memref<8x50xi32, #tpu.memory_space<vmem>>
    %dma_wait3A_36 = arith.constant 0 : i32
    %dma_wait3A_37 = tpu.memref_slice %arg2[%mul3A_2, %dma_wait3A_36] : memref<16384x50xi32, #tpu.memory_space<hbm>> -> memref<8x50xi32, #tpu.memory_space<hbm>>
    %dma_wait3A_38 = arith.constant 0 : i32
    %dma_wait3A_39 = arith.constant 0 : i32
    %dma_wait3A_40 = tpu.memref_slice %arg5[%dma_wait3A, %dma_wait3A_38, %dma_wait3A_39] : memref<2x8x50xi32, #tpu.memory_space<vmem>> -> memref<1x8x50xi32, #tpu.memory_space<vmem>>
    %dma_wait3A_41 = tpu.memref_squeeze %dma_wait3A_40 : memref<1x8x50xi32, #tpu.memory_space<vmem>> -> memref<8x50xi32, #tpu.memory_space<vmem>>
    %dma_wait3A_42 = arith.constant 0 : i32
    %dma_wait3A_43 = tpu.memref_slice %arg2[%mul3A_2, %dma_wait3A_42] : memref<16384x50xi32, #tpu.memory_space<hbm>> -> memref<8x50xi32, #tpu.memory_space<hbm>>
    tpu.wait_dma2 semaphore(%arg7 : memref<!tpu.dma_semaphore, #tpu.memory_space<semaphore_mem>>) src(%dma_wait3A_43 : memref<8x50xi32, #tpu.memory_space<hbm>>) dst(%dma_wait3A_41 : memref<8x50xi32, #tpu.memory_space<vmem>>)
    %dma_start3A_44 = arith.constant 0 : i32
    %dma_start3A_45 = arith.constant 0 : i32
    %dma_start3A_46 = arith.constant 0 : i32
    %dma_start3A_47 = arith.constant 0 : i32
    %dma_start3A_48 = arith.constant 0 : i32
    %dma_start3A_49 = arith.constant 0 : i32
    %dma_start3A_50 = tpu.memref_slice %arg6[%dma_start3A_46, %dma_start3A_47, %dma_start3A_48, %dma_start3A_49] : memref<2x8x50x64xf32, #tpu.memory_space<vmem>> -> memref<1x1x50x64xf32, #tpu.memory_space<vmem>>
    %dma_start3A_51 = tpu.memref_squeeze %dma_start3A_50 : memref<1x1x50x64xf32, #tpu.memory_space<vmem>> -> memref<50x64xf32, #tpu.memory_space<vmem>>
    %dma_start3A_52 = arith.constant 0 : i32
    %dma_start3A_53 = tpu.memref_slice %arg5[%dma_start3A_44, %dma_start3A_45, %dma_start3A_52] : memref<2x8x50xi32, #tpu.memory_space<vmem>> -> memref<1x1x50xi32, #tpu.memory_space<vmem>>
    %dma_start3A_54 = tpu.memref_squeeze %dma_start3A_53 : memref<1x1x50xi32, #tpu.memory_space<vmem>> -> memref<50xi32, #tpu.memory_space<vmem>>
    %dma_start3A_55 = arith.constant 0 : i32
    %dma_start3A_56 = arith.constant 0 : i32
    %dma_start3A_57 = tpu.memref_slice %arg3[%dma_start3A_55, %dma_start3A_56] : memref<1000000x64xf32, #tpu.memory_space<hbm>> -> memref<1000000x64xf32, #tpu.memory_space<hbm>>
    tpu.enqueue_indirect_dma source(%dma_start3A_57 : memref<1000000x64xf32, #tpu.memory_space<hbm>>) target(%dma_start3A_51 : memref<50x64xf32, #tpu.memory_space<vmem>>) offsets(%dma_start3A_54 : memref<50xi32, #tpu.memory_space<vmem>>) semaphore(%arg9 : memref<!tpu.dma_semaphore, #tpu.memory_space<semaphore_mem>>)
    %dma_start3A_58 = arith.constant 0 : i32
    %dma_start3A_59 = arith.constant 1 : i32
    %dma_start3A_60 = arith.constant 0 : i32
    %dma_start3A_61 = arith.constant 1 : i32
    %dma_start3A_62 = arith.constant 0 : i32
    %dma_start3A_63 = arith.constant 0 : i32
    %dma_start3A_64 = tpu.memref_slice %arg6[%dma_start3A_60, %dma_start3A_61, %dma_start3A_62, %dma_start3A_63] : memref<2x8x50x64xf32, #tpu.memory_space<vmem>> -> memref<1x1x50x64xf32, #tpu.memory_space<vmem>>
    %dma_start3A_65 = tpu.memref_squeeze %dma_start3A_64 : memref<1x1x50x64xf32, #tpu.memory_space<vmem>> -> memref<50x64xf32, #tpu.memory_space<vmem>>
    %dma_start3A_66 = arith.constant 0 : i32
    %dma_start3A_67 = tpu.memref_slice %arg5[%dma_start3A_58, %dma_start3A_59, %dma_start3A_66] : memref<2x8x50xi32, #tpu.memory_space<vmem>> -> memref<1x1x50xi32, #tpu.memory_space<vmem>>
    %dma_start3A_68 = tpu.memref_squeeze %dma_start3A_67 : memref<1x1x50xi32, #tpu.memory_space<vmem>> -> memref<50xi32, #tpu.memory_space<vmem>>
    %dma_start3A_69 = arith.constant 0 : i32
    %dma_start3A_70 = arith.constant 0 : i32
    %dma_start3A_71 = tpu.memref_slice %arg3[%dma_start3A_69, %dma_start3A_70] : memref<1000000x64xf32, #tpu.memory_space<hbm>> -> memref<1000000x64xf32, #tpu.memory_space<hbm>>
    tpu.enqueue_indirect_dma source(%dma_start3A_71 : memref<1000000x64xf32, #tpu.memory_space<hbm>>) target(%dma_start3A_65 : memref<50x64xf32, #tpu.memory_space<vmem>>) offsets(%dma_start3A_68 : memref<50xi32, #tpu.memory_space<vmem>>) semaphore(%arg9 : memref<!tpu.dma_semaphore, #tpu.memory_space<semaphore_mem>>)
    %dma_start3A_72 = arith.constant 0 : i32
    %dma_start3A_73 = arith.constant 2 : i32
    %dma_start3A_74 = arith.constant 0 : i32
    %dma_start3A_75 = arith.constant 2 : i32
    %dma_start3A_76 = arith.constant 0 : i32
    %dma_start3A_77 = arith.constant 0 : i32
    %dma_start3A_78 = tpu.memref_slice %arg6[%dma_start3A_74, %dma_start3A_75, %dma_start3A_76, %dma_start3A_77] : memref<2x8x50x64xf32, #tpu.memory_space<vmem>> -> memref<1x1x50x64xf32, #tpu.memory_space<vmem>>
    %dma_start3A_79 = tpu.memref_squeeze %dma_start3A_78 : memref<1x1x50x64xf32, #tpu.memory_space<vmem>> -> memref<50x64xf32, #tpu.memory_space<vmem>>
    %dma_start3A_80 = arith.constant 0 : i32
    %dma_start3A_81 = tpu.memref_slice %arg5[%dma_start3A_72, %dma_start3A_73, %dma_start3A_80] : memref<2x8x50xi32, #tpu.memory_space<vmem>> -> memref<1x1x50xi32, #tpu.memory_space<vmem>>
    %dma_start3A_82 = tpu.memref_squeeze %dma_start3A_81 : memref<1x1x50xi32, #tpu.memory_space<vmem>> -> memref<50xi32, #tpu.memory_space<vmem>>
    %dma_start3A_83 = arith.constant 0 : i32
    %dma_start3A_84 = arith.constant 0 : i32
    %dma_start3A_85 = tpu.memref_slice %arg3[%dma_start3A_83, %dma_start3A_84] : memref<1000000x64xf32, #tpu.memory_space<hbm>> -> memref<1000000x64xf32, #tpu.memory_space<hbm>>
    tpu.enqueue_indirect_dma source(%dma_start3A_85 : memref<1000000x64xf32, #tpu.memory_space<hbm>>) target(%dma_start3A_79 : memref<50x64xf32, #tpu.memory_space<vmem>>) offsets(%dma_start3A_82 : memref<50xi32, #tpu.memory_space<vmem>>) semaphore(%arg9 : memref<!tpu.dma_semaphore, #tpu.memory_space<semaphore_mem>>)
    %dma_start3A_86 = arith.constant 0 : i32
    %dma_start3A_87 = arith.constant 3 : i32
    %dma_start3A_88 = arith.constant 0 : i32
    %dma_start3A_89 = arith.constant 3 : i32
    %dma_start3A_90 = arith.constant 0 : i32
    %dma_start3A_91 = arith.constant 0 : i32
    %dma_start3A_92 = tpu.memref_slice %arg6[%dma_start3A_88, %dma_start3A_89, %dma_start3A_90, %dma_start3A_91] : memref<2x8x50x64xf32, #tpu.memory_space<vmem>> -> memref<1x1x50x64xf32, #tpu.memory_space<vmem>>
    %dma_start3A_93 = tpu.memref_squeeze %dma_start3A_92 : memref<1x1x50x64xf32, #tpu.memory_space<vmem>> -> memref<50x64xf32, #tpu.memory_space<vmem>>
    %dma_start3A_94 = arith.constant 0 : i32
    %dma_start3A_95 = tpu.memref_slice %arg5[%dma_start3A_86, %dma_start3A_87, %dma_start3A_94] : memref<2x8x50xi32, #tpu.memory_space<vmem>> -> memref<1x1x50xi32, #tpu.memory_space<vmem>>
    %dma_start3A_96 = tpu.memref_squeeze %dma_start3A_95 : memref<1x1x50xi32, #tpu.memory_space<vmem>> -> memref<50xi32, #tpu.memory_space<vmem>>
    %dma_start3A_97 = arith.constant 0 : i32
    %dma_start3A_98 = arith.constant 0 : i32
    %dma_start3A_99 = tpu.memref_slice %arg3[%dma_start3A_97, %dma_start3A_98] : memref<1000000x64xf32, #tpu.memory_space<hbm>> -> memref<1000000x64xf32, #tpu.memory_space<hbm>>
    tpu.enqueue_indirect_dma source(%dma_start3A_99 : memref<1000000x64xf32, #tpu.memory_space<hbm>>) target(%dma_start3A_93 : memref<50x64xf32, #tpu.memory_space<vmem>>) offsets(%dma_start3A_96 : memref<50xi32, #tpu.memory_space<vmem>>) semaphore(%arg9 : memref<!tpu.dma_semaphore, #tpu.memory_space<semaphore_mem>>)
    %dma_start3A_100 = arith.constant 0 : i32
    %dma_start3A_101 = arith.constant 4 : i32
    %dma_start3A_102 = arith.constant 0 : i32
    %dma_start3A_103 = arith.constant 4 : i32
    %dma_start3A_104 = arith.constant 0 : i32
    %dma_start3A_105 = arith.constant 0 : i32
    %dma_start3A_106 = tpu.memref_slice %arg6[%dma_start3A_102, %dma_start3A_103, %dma_start3A_104, %dma_start3A_105] : memref<2x8x50x64xf32, #tpu.memory_space<vmem>> -> memref<1x1x50x64xf32, #tpu.memory_space<vmem>>
    %dma_start3A_107 = tpu.memref_squeeze %dma_start3A_106 : memref<1x1x50x64xf32, #tpu.memory_space<vmem>> -> memref<50x64xf32, #tpu.memory_space<vmem>>
    %dma_start3A_108 = arith.constant 0 : i32
    %dma_start3A_109 = tpu.memref_slice %arg5[%dma_start3A_100, %dma_start3A_101, %dma_start3A_108] : memref<2x8x50xi32, #tpu.memory_space<vmem>> -> memref<1x1x50xi32, #tpu.memory_space<vmem>>
    %dma_start3A_110 = tpu.memref_squeeze %dma_start3A_109 : memref<1x1x50xi32, #tpu.memory_space<vmem>> -> memref<50xi32, #tpu.memory_space<vmem>>
    %dma_start3A_111 = arith.constant 0 : i32
    %dma_start3A_112 = arith.constant 0 : i32
    %dma_start3A_113 = tpu.memref_slice %arg3[%dma_start3A_111, %dma_start3A_112] : memref<1000000x64xf32, #tpu.memory_space<hbm>> -> memref<1000000x64xf32, #tpu.memory_space<hbm>>
    tpu.enqueue_indirect_dma source(%dma_start3A_113 : memref<1000000x64xf32, #tpu.memory_space<hbm>>) target(%dma_start3A_107 : memref<50x64xf32, #tpu.memory_space<vmem>>) offsets(%dma_start3A_110 : memref<50xi32, #tpu.memory_space<vmem>>) semaphore(%arg9 : memref<!tpu.dma_semaphore, #tpu.memory_space<semaphore_mem>>)
    %dma_start3A_114 = arith.constant 0 : i32
    %dma_start3A_115 = arith.constant 5 : i32
    %dma_start3A_116 = arith.constant 0 : i32
    %dma_start3A_117 = arith.constant 5 : i32
    %dma_start3A_118 = arith.constant 0 : i32
    %dma_start3A_119 = arith.constant 0 : i32
    %dma_start3A_120 = tpu.memref_slice %arg6[%dma_start3A_116, %dma_start3A_117, %dma_start3A_118, %dma_start3A_119] : memref<2x8x50x64xf32, #tpu.memory_space<vmem>> -> memref<1x1x50x64xf32, #tpu.memory_space<vmem>>
    %dma_start3A_121 = tpu.memref_squeeze %dma_start3A_120 : memref<1x1x50x64xf32, #tpu.memory_space<vmem>> -> memref<50x64xf32, #tpu.memory_space<vmem>>
    %dma_start3A_122 = arith.constant 0 : i32
    %dma_start3A_123 = tpu.memref_slice %arg5[%dma_start3A_114, %dma_start3A_115, %dma_start3A_122] : memref<2x8x50xi32, #tpu.memory_space<vmem>> -> memref<1x1x50xi32, #tpu.memory_space<vmem>>
    %dma_start3A_124 = tpu.memref_squeeze %dma_start3A_123 : memref<1x1x50xi32, #tpu.memory_space<vmem>> -> memref<50xi32, #tpu.memory_space<vmem>>
    %dma_start3A_125 = arith.constant 0 : i32
    %dma_start3A_126 = arith.constant 0 : i32
    %dma_start3A_127 = tpu.memref_slice %arg3[%dma_start3A_125, %dma_start3A_126] : memref<1000000x64xf32, #tpu.memory_space<hbm>> -> memref<1000000x64xf32, #tpu.memory_space<hbm>>
    tpu.enqueue_indirect_dma source(%dma_start3A_127 : memref<1000000x64xf32, #tpu.memory_space<hbm>>) target(%dma_start3A_121 : memref<50x64xf32, #tpu.memory_space<vmem>>) offsets(%dma_start3A_124 : memref<50xi32, #tpu.memory_space<vmem>>) semaphore(%arg9 : memref<!tpu.dma_semaphore, #tpu.memory_space<semaphore_mem>>)
    %dma_start3A_128 = arith.constant 0 : i32
    %dma_start3A_129 = arith.constant 6 : i32
    %dma_start3A_130 = arith.constant 0 : i32
    %dma_start3A_131 = arith.constant 6 : i32
    %dma_start3A_132 = arith.constant 0 : i32
    %dma_start3A_133 = arith.constant 0 : i32
    %dma_start3A_134 = tpu.memref_slice %arg6[%dma_start3A_130, %dma_start3A_131, %dma_start3A_132, %dma_start3A_133] : memref<2x8x50x64xf32, #tpu.memory_space<vmem>> -> memref<1x1x50x64xf32, #tpu.memory_space<vmem>>
    %dma_start3A_135 = tpu.memref_squeeze %dma_start3A_134 : memref<1x1x50x64xf32, #tpu.memory_space<vmem>> -> memref<50x64xf32, #tpu.memory_space<vmem>>
    %dma_start3A_136 = arith.constant 0 : i32
    %dma_start3A_137 = tpu.memref_slice %arg5[%dma_start3A_128, %dma_start3A_129, %dma_start3A_136] : memref<2x8x50xi32, #tpu.memory_space<vmem>> -> memref<1x1x50xi32, #tpu.memory_space<vmem>>
    %dma_start3A_138 = tpu.memref_squeeze %dma_start3A_137 : memref<1x1x50xi32, #tpu.memory_space<vmem>> -> memref<50xi32, #tpu.memory_space<vmem>>
    %dma_start3A_139 = arith.constant 0 : i32
    %dma_start3A_140 = arith.constant 0 : i32
    %dma_start3A_141 = tpu.memref_slice %arg3[%dma_start3A_139, %dma_start3A_140] : memref<1000000x64xf32, #tpu.memory_space<hbm>> -> memref<1000000x64xf32, #tpu.memory_space<hbm>>
    tpu.enqueue_indirect_dma source(%dma_start3A_141 : memref<1000000x64xf32, #tpu.memory_space<hbm>>) target(%dma_start3A_135 : memref<50x64xf32, #tpu.memory_space<vmem>>) offsets(%dma_start3A_138 : memref<50xi32, #tpu.memory_space<vmem>>) semaphore(%arg9 : memref<!tpu.dma_semaphore, #tpu.memory_space<semaphore_mem>>)
    %dma_start3A_142 = arith.constant 0 : i32
    %dma_start3A_143 = arith.constant 7 : i32
    %dma_start3A_144 = arith.constant 0 : i32
    %dma_start3A_145 = arith.constant 7 : i32
    %dma_start3A_146 = arith.constant 0 : i32
    %dma_start3A_147 = arith.constant 0 : i32
    %dma_start3A_148 = tpu.memref_slice %arg6[%dma_start3A_144, %dma_start3A_145, %dma_start3A_146, %dma_start3A_147] : memref<2x8x50x64xf32, #tpu.memory_space<vmem>> -> memref<1x1x50x64xf32, #tpu.memory_space<vmem>>
    %dma_start3A_149 = tpu.memref_squeeze %dma_start3A_148 : memref<1x1x50x64xf32, #tpu.memory_space<vmem>> -> memref<50x64xf32, #tpu.memory_space<vmem>>
    %dma_start3A_150 = arith.constant 0 : i32
    %dma_start3A_151 = tpu.memref_slice %arg5[%dma_start3A_142, %dma_start3A_143, %dma_start3A_150] : memref<2x8x50xi32, #tpu.memory_space<vmem>> -> memref<1x1x50xi32, #tpu.memory_space<vmem>>
    %dma_start3A_152 = tpu.memref_squeeze %dma_start3A_151 : memref<1x1x50xi32, #tpu.memory_space<vmem>> -> memref<50xi32, #tpu.memory_space<vmem>>
    %dma_start3A_153 = arith.constant 0 : i32
    %dma_start3A_154 = arith.constant 0 : i32
    %dma_start3A_155 = tpu.memref_slice %arg3[%dma_start3A_153, %dma_start3A_154] : memref<1000000x64xf32, #tpu.memory_space<hbm>> -> memref<1000000x64xf32, #tpu.memory_space<hbm>>
    tpu.enqueue_indirect_dma source(%dma_start3A_155 : memref<1000000x64xf32, #tpu.memory_space<hbm>>) target(%dma_start3A_149 : memref<50x64xf32, #tpu.memory_space<vmem>>) offsets(%dma_start3A_152 : memref<50xi32, #tpu.memory_space<vmem>>) semaphore(%arg9 : memref<!tpu.dma_semaphore, #tpu.memory_space<semaphore_mem>>)
    %scan3A = arith.constant 0 : i32
    %scan3A_156 = arith.constant 0 : i32
    %scan3A_157 = arith.constant 64 : i32
    %scan3A_158 = arith.addi %scan3A_156, %scan3A_157 : i32
    %scan3A_159 = arith.constant 1 : i32
    %scan3A_160 = scf.for %scan3A_179 = %scan3A_156 to %scan3A_158 step %scan3A_159 iter_args(%scan3A_180 = %scan3A) -> (i32)  : i32 {
      %rem3A = arith.constant 2 : i32
      %rem3A_181 = arith.remsi %scan3A_179, %rem3A : i32
      %eq3A = arith.constant 0 : i32
      %eq3A_182 = arith.cmpi eq, %rem3A_181, %eq3A : i32
      %convert_element_type3A = arith.extui %eq3A_182 : i1 to i32
      %cond3A = arith.constant 0 : i32
      %cond3A_183 = arith.cmpi ne, %convert_element_type3A, %cond3A : i32
      scf.if %cond3A_183 {
        %gt3A = arith.constant 0 : i32
        %gt3A_189 = arith.cmpi sgt, %scan3A_179, %gt3A : i32
        %convert_element_type3A_190 = arith.extui %gt3A_189 : i1 to i32
        %cond3A_191 = arith.constant 0 : i32
        %cond3A_192 = arith.cmpi ne, %convert_element_type3A_190, %cond3A_191 : i32
        scf.if %cond3A_192 {
          %dma_wait3A_338 = arith.constant 1 : i32
          %dma_wait3A_339 = arith.constant 0 : i32
          %dma_wait3A_340 = arith.constant 0 : i32
          %dma_wait3A_341 = arith.constant 0 : i32
          %dma_wait3A_342 = tpu.memref_slice %arg6[%dma_wait3A_338, %dma_wait3A_339, %dma_wait3A_340, %dma_wait3A_341] : memref<2x8x50x64xf32, #tpu.memory_space<vmem>> -> memref<1x8x50x64xf32, #tpu.memory_space<vmem>>
          %dma_wait3A_343 = tpu.memref_squeeze %dma_wait3A_342 : memref<1x8x50x64xf32, #tpu.memory_space<vmem>> -> memref<8x50x64xf32, #tpu.memory_space<vmem>>
          %dma_wait3A_344 = arith.constant 0 : i32
          %dma_wait3A_345 = arith.constant 0 : i32
          %dma_wait3A_346 = tpu.memref_slice %arg4[%mul3A_2, %dma_wait3A_344, %dma_wait3A_345] : memref<16384x56x128xf32, #tpu.memory_space<hbm>> -> memref<8x50x64xf32, #tpu.memory_space<hbm>>
          %dma_wait3A_347 = arith.constant 0 : i32
          %dma_wait3A_348 = arith.constant 0 : i32
          %dma_wait3A_349 = tpu.memref_slice %arg4[%mul3A_2, %dma_wait3A_347, %dma_wait3A_348] : memref<16384x56x128xf32, #tpu.memory_space<hbm>> -> memref<8x50x64xf32, #tpu.memory_space<hbm>>
          %dma_wait3A_350 = arith.constant 0 : i32
          %dma_wait3A_351 = arith.constant 0 : i32
          %dma_wait3A_352 = arith.constant 0 : i32
          %dma_wait3A_353 = tpu.memref_slice %arg6[%dma_wait3A_338, %dma_wait3A_350, %dma_wait3A_351, %dma_wait3A_352] : memref<2x8x50x64xf32, #tpu.memory_space<vmem>> -> memref<1x8x50x64xf32, #tpu.memory_space<vmem>>
          %dma_wait3A_354 = tpu.memref_squeeze %dma_wait3A_353 : memref<1x8x50x64xf32, #tpu.memory_space<vmem>> -> memref<8x50x64xf32, #tpu.memory_space<vmem>>
          tpu.wait_dma2 semaphore(%arg11 : memref<!tpu.dma_semaphore, #tpu.memory_space<semaphore_mem>>) src(%dma_wait3A_354 : memref<8x50x64xf32, #tpu.memory_space<vmem>>) dst(%dma_wait3A_349 : memref<8x50x64xf32, #tpu.memory_space<hbm>>)
        } else {
        }
        %dma_wait3A_193 = arith.constant 0 : i32
        %dma_wait3A_194 = arith.constant 0 : i32
        %dma_wait3A_195 = arith.constant 0 : i32
        %dma_wait3A_196 = arith.constant 0 : i32
        %dma_wait3A_197 = arith.constant 0 : i32
        %dma_wait3A_198 = arith.constant 0 : i32
        %dma_wait3A_199 = tpu.memref_slice %arg6[%dma_wait3A_195, %dma_wait3A_196, %dma_wait3A_197, %dma_wait3A_198] : memref<2x8x50x64xf32, #tpu.memory_space<vmem>> -> memref<1x1x50x64xf32, #tpu.memory_space<vmem>>
        %dma_wait3A_200 = tpu.memref_squeeze %dma_wait3A_199 : memref<1x1x50x64xf32, #tpu.memory_space<vmem>> -> memref<50x64xf32, #tpu.memory_space<vmem>>
        %dma_wait3A_201 = arith.constant 0 : i32
        %dma_wait3A_202 = tpu.memref_slice %arg5[%dma_wait3A_193, %dma_wait3A_194, %dma_wait3A_201] : memref<2x8x50xi32, #tpu.memory_space<vmem>> -> memref<1x1x50xi32, #tpu.memory_space<vmem>>
        %dma_wait3A_203 = tpu.memref_squeeze %dma_wait3A_202 : memref<1x1x50xi32, #tpu.memory_space<vmem>> -> memref<50xi32, #tpu.memory_space<vmem>>
        %dma_wait3A_204 = arith.constant 0 : i32
        %dma_wait3A_205 = arith.constant 0 : i32
        %dma_wait3A_206 = tpu.memref_slice %arg3[%dma_wait3A_204, %dma_wait3A_205] : memref<1000000x64xf32, #tpu.memory_space<hbm>> -> memref<1000000x64xf32, #tpu.memory_space<hbm>>
        tpu.wait_indirect_dma semaphore(%arg9 : memref<!tpu.dma_semaphore, #tpu.memory_space<semaphore_mem>>) src(%dma_wait3A_206 : memref<1000000x64xf32, #tpu.memory_space<hbm>>) dst(%dma_wait3A_200 : memref<50x64xf32, #tpu.memory_space<vmem>>)
        %dma_wait3A_207 = arith.constant 0 : i32
        %dma_wait3A_208 = arith.constant 1 : i32
        %dma_wait3A_209 = arith.constant 0 : i32
        %dma_wait3A_210 = arith.constant 1 : i32
        %dma_wait3A_211 = arith.constant 0 : i32
        %dma_wait3A_212 = arith.constant 0 : i32
        %dma_wait3A_213 = tpu.memref_slice %arg6[%dma_wait3A_209, %dma_wait3A_210, %dma_wait3A_211, %dma_wait3A_212] : memref<2x8x50x64xf32, #tpu.memory_space<vmem>> -> memref<1x1x50x64xf32, #tpu.memory_space<vmem>>
        %dma_wait3A_214 = tpu.memref_squeeze %dma_wait3A_213 : memref<1x1x50x64xf32, #tpu.memory_space<vmem>> -> memref<50x64xf32, #tpu.memory_space<vmem>>
        %dma_wait3A_215 = arith.constant 0 : i32
        %dma_wait3A_216 = tpu.memref_slice %arg5[%dma_wait3A_207, %dma_wait3A_208, %dma_wait3A_215] : memref<2x8x50xi32, #tpu.memory_space<vmem>> -> memref<1x1x50xi32, #tpu.memory_space<vmem>>
        %dma_wait3A_217 = tpu.memref_squeeze %dma_wait3A_216 : memref<1x1x50xi32, #tpu.memory_space<vmem>> -> memref<50xi32, #tpu.memory_space<vmem>>
        %dma_wait3A_218 = arith.constant 0 : i32
        %dma_wait3A_219 = arith.constant 0 : i32
        %dma_wait3A_220 = tpu.memref_slice %arg3[%dma_wait3A_218, %dma_wait3A_219] : memref<1000000x64xf32, #tpu.memory_space<hbm>> -> memref<1000000x64xf32, #tpu.memory_space<hbm>>
        tpu.wait_indirect_dma semaphore(%arg9 : memref<!tpu.dma_semaphore, #tpu.memory_space<semaphore_mem>>) src(%dma_wait3A_220 : memref<1000000x64xf32, #tpu.memory_space<hbm>>) dst(%dma_wait3A_214 : memref<50x64xf32, #tpu.memory_space<vmem>>)
        %dma_wait3A_221 = arith.constant 0 : i32
        %dma_wait3A_222 = arith.constant 2 : i32
        %dma_wait3A_223 = arith.constant 0 : i32
        %dma_wait3A_224 = arith.constant 2 : i32
        %dma_wait3A_225 = arith.constant 0 : i32
        %dma_wait3A_226 = arith.constant 0 : i32
        %dma_wait3A_227 = tpu.memref_slice %arg6[%dma_wait3A_223, %dma_wait3A_224, %dma_wait3A_225, %dma_wait3A_226] : memref<2x8x50x64xf32, #tpu.memory_space<vmem>> -> memref<1x1x50x64xf32, #tpu.memory_space<vmem>>
        %dma_wait3A_228 = tpu.memref_squeeze %dma_wait3A_227 : memref<1x1x50x64xf32, #tpu.memory_space<vmem>> -> memref<50x64xf32, #tpu.memory_space<vmem>>
        %dma_wait3A_229 = arith.constant 0 : i32
        %dma_wait3A_230 = tpu.memref_slice %arg5[%dma_wait3A_221, %dma_wait3A_222, %dma_wait3A_229] : memref<2x8x50xi32, #tpu.memory_space<vmem>> -> memref<1x1x50xi32, #tpu.memory_space<vmem>>
        %dma_wait3A_231 = tpu.memref_squeeze %dma_wait3A_230 : memref<1x1x50xi32, #tpu.memory_space<vmem>> -> memref<50xi32, #tpu.memory_space<vmem>>
        %dma_wait3A_232 = arith.constant 0 : i32
        %dma_wait3A_233 = arith.constant 0 : i32
        %dma_wait3A_234 = tpu.memref_slice %arg3[%dma_wait3A_232, %dma_wait3A_233] : memref<1000000x64xf32, #tpu.memory_space<hbm>> -> memref<1000000x64xf32, #tpu.memory_space<hbm>>
        tpu.wait_indirect_dma semaphore(%arg9 : memref<!tpu.dma_semaphore, #tpu.memory_space<semaphore_mem>>) src(%dma_wait3A_234 : memref<1000000x64xf32, #tpu.memory_space<hbm>>) dst(%dma_wait3A_228 : memref<50x64xf32, #tpu.memory_space<vmem>>)
        %dma_wait3A_235 = arith.constant 0 : i32
        %dma_wait3A_236 = arith.constant 3 : i32
        %dma_wait3A_237 = arith.constant 0 : i32
        %dma_wait3A_238 = arith.constant 3 : i32
        %dma_wait3A_239 = arith.constant 0 : i32
        %dma_wait3A_240 = arith.constant 0 : i32
        %dma_wait3A_241 = tpu.memref_slice %arg6[%dma_wait3A_237, %dma_wait3A_238, %dma_wait3A_239, %dma_wait3A_240] : memref<2x8x50x64xf32, #tpu.memory_space<vmem>> -> memref<1x1x50x64xf32, #tpu.memory_space<vmem>>
        %dma_wait3A_242 = tpu.memref_squeeze %dma_wait3A_241 : memref<1x1x50x64xf32, #tpu.memory_space<vmem>> -> memref<50x64xf32, #tpu.memory_space<vmem>>
        %dma_wait3A_243 = arith.constant 0 : i32
        %dma_wait3A_244 = tpu.memref_slice %arg5[%dma_wait3A_235, %dma_wait3A_236, %dma_wait3A_243] : memref<2x8x50xi32, #tpu.memory_space<vmem>> -> memref<1x1x50xi32, #tpu.memory_space<vmem>>
        %dma_wait3A_245 = tpu.memref_squeeze %dma_wait3A_244 : memref<1x1x50xi32, #tpu.memory_space<vmem>> -> memref<50xi32, #tpu.memory_space<vmem>>
        %dma_wait3A_246 = arith.constant 0 : i32
        %dma_wait3A_247 = arith.constant 0 : i32
        %dma_wait3A_248 = tpu.memref_slice %arg3[%dma_wait3A_246, %dma_wait3A_247] : memref<1000000x64xf32, #tpu.memory_space<hbm>> -> memref<1000000x64xf32, #tpu.memory_space<hbm>>
        tpu.wait_indirect_dma semaphore(%arg9 : memref<!tpu.dma_semaphore, #tpu.memory_space<semaphore_mem>>) src(%dma_wait3A_248 : memref<1000000x64xf32, #tpu.memory_space<hbm>>) dst(%dma_wait3A_242 : memref<50x64xf32, #tpu.memory_space<vmem>>)
        %dma_wait3A_249 = arith.constant 0 : i32
        %dma_wait3A_250 = arith.constant 4 : i32
        %dma_wait3A_251 = arith.constant 0 : i32
        %dma_wait3A_252 = arith.constant 4 : i32
        %dma_wait3A_253 = arith.constant 0 : i32
        %dma_wait3A_254 = arith.constant 0 : i32
        %dma_wait3A_255 = tpu.memref_slice %arg6[%dma_wait3A_251, %dma_wait3A_252, %dma_wait3A_253, %dma_wait3A_254] : memref<2x8x50x64xf32, #tpu.memory_space<vmem>> -> memref<1x1x50x64xf32, #tpu.memory_space<vmem>>
        %dma_wait3A_256 = tpu.memref_squeeze %dma_wait3A_255 : memref<1x1x50x64xf32, #tpu.memory_space<vmem>> -> memref<50x64xf32, #tpu.memory_space<vmem>>
        %dma_wait3A_257 = arith.constant 0 : i32
        %dma_wait3A_258 = tpu.memref_slice %arg5[%dma_wait3A_249, %dma_wait3A_250, %dma_wait3A_257] : memref<2x8x50xi32, #tpu.memory_space<vmem>> -> memref<1x1x50xi32, #tpu.memory_space<vmem>>
        %dma_wait3A_259 = tpu.memref_squeeze %dma_wait3A_258 : memref<1x1x50xi32, #tpu.memory_space<vmem>> -> memref<50xi32, #tpu.memory_space<vmem>>
        %dma_wait3A_260 = arith.constant 0 : i32
        %dma_wait3A_261 = arith.constant 0 : i32
        %dma_wait3A_262 = tpu.memref_slice %arg3[%dma_wait3A_260, %dma_wait3A_261] : memref<1000000x64xf32, #tpu.memory_space<hbm>> -> memref<1000000x64xf32, #tpu.memory_space<hbm>>
        tpu.wait_indirect_dma semaphore(%arg9 : memref<!tpu.dma_semaphore, #tpu.memory_space<semaphore_mem>>) src(%dma_wait3A_262 : memref<1000000x64xf32, #tpu.memory_space<hbm>>) dst(%dma_wait3A_256 : memref<50x64xf32, #tpu.memory_space<vmem>>)
        %dma_wait3A_263 = arith.constant 0 : i32
        %dma_wait3A_264 = arith.constant 5 : i32
        %dma_wait3A_265 = arith.constant 0 : i32
        %dma_wait3A_266 = arith.constant 5 : i32
        %dma_wait3A_267 = arith.constant 0 : i32
        %dma_wait3A_268 = arith.constant 0 : i32
        %dma_wait3A_269 = tpu.memref_slice %arg6[%dma_wait3A_265, %dma_wait3A_266, %dma_wait3A_267, %dma_wait3A_268] : memref<2x8x50x64xf32, #tpu.memory_space<vmem>> -> memref<1x1x50x64xf32, #tpu.memory_space<vmem>>
        %dma_wait3A_270 = tpu.memref_squeeze %dma_wait3A_269 : memref<1x1x50x64xf32, #tpu.memory_space<vmem>> -> memref<50x64xf32, #tpu.memory_space<vmem>>
        %dma_wait3A_271 = arith.constant 0 : i32
        %dma_wait3A_272 = tpu.memref_slice %arg5[%dma_wait3A_263, %dma_wait3A_264, %dma_wait3A_271] : memref<2x8x50xi32, #tpu.memory_space<vmem>> -> memref<1x1x50xi32, #tpu.memory_space<vmem>>
        %dma_wait3A_273 = tpu.memref_squeeze %dma_wait3A_272 : memref<1x1x50xi32, #tpu.memory_space<vmem>> -> memref<50xi32, #tpu.memory_space<vmem>>
        %dma_wait3A_274 = arith.constant 0 : i32
        %dma_wait3A_275 = arith.constant 0 : i32
        %dma_wait3A_276 = tpu.memref_slice %arg3[%dma_wait3A_274, %dma_wait3A_275] : memref<1000000x64xf32, #tpu.memory_space<hbm>> -> memref<1000000x64xf32, #tpu.memory_space<hbm>>
        tpu.wait_indirect_dma semaphore(%arg9 : memref<!tpu.dma_semaphore, #tpu.memory_space<semaphore_mem>>) src(%dma_wait3A_276 : memref<1000000x64xf32, #tpu.memory_space<hbm>>) dst(%dma_wait3A_270 : memref<50x64xf32, #tpu.memory_space<vmem>>)
        %dma_wait3A_277 = arith.constant 0 : i32
        %dma_wait3A_278 = arith.constant 6 : i32
        %dma_wait3A_279 = arith.constant 0 : i32
        %dma_wait3A_280 = arith.constant 6 : i32
        %dma_wait3A_281 = arith.constant 0 : i32
        %dma_wait3A_282 = arith.constant 0 : i32
        %dma_wait3A_283 = tpu.memref_slice %arg6[%dma_wait3A_279, %dma_wait3A_280, %dma_wait3A_281, %dma_wait3A_282] : memref<2x8x50x64xf32, #tpu.memory_space<vmem>> -> memref<1x1x50x64xf32, #tpu.memory_space<vmem>>
        %dma_wait3A_284 = tpu.memref_squeeze %dma_wait3A_283 : memref<1x1x50x64xf32, #tpu.memory_space<vmem>> -> memref<50x64xf32, #tpu.memory_space<vmem>>
        %dma_wait3A_285 = arith.constant 0 : i32
        %dma_wait3A_286 = tpu.memref_slice %arg5[%dma_wait3A_277, %dma_wait3A_278, %dma_wait3A_285] : memref<2x8x50xi32, #tpu.memory_space<vmem>> -> memref<1x1x50xi32, #tpu.memory_space<vmem>>
        %dma_wait3A_287 = tpu.memref_squeeze %dma_wait3A_286 : memref<1x1x50xi32, #tpu.memory_space<vmem>> -> memref<50xi32, #tpu.memory_space<vmem>>
        %dma_wait3A_288 = arith.constant 0 : i32
        %dma_wait3A_289 = arith.constant 0 : i32
        %dma_wait3A_290 = tpu.memref_slice %arg3[%dma_wait3A_288, %dma_wait3A_289] : memref<1000000x64xf32, #tpu.memory_space<hbm>> -> memref<1000000x64xf32, #tpu.memory_space<hbm>>
        tpu.wait_indirect_dma semaphore(%arg9 : memref<!tpu.dma_semaphore, #tpu.memory_space<semaphore_mem>>) src(%dma_wait3A_290 : memref<1000000x64xf32, #tpu.memory_space<hbm>>) dst(%dma_wait3A_284 : memref<50x64xf32, #tpu.memory_space<vmem>>)
        %dma_wait3A_291 = arith.constant 0 : i32
        %dma_wait3A_292 = arith.constant 7 : i32
        %dma_wait3A_293 = arith.constant 0 : i32
        %dma_wait3A_294 = arith.constant 7 : i32
        %dma_wait3A_295 = arith.constant 0 : i32
        %dma_wait3A_296 = arith.constant 0 : i32
        %dma_wait3A_297 = tpu.memref_slice %arg6[%dma_wait3A_293, %dma_wait3A_294, %dma_wait3A_295, %dma_wait3A_296] : memref<2x8x50x64xf32, #tpu.memory_space<vmem>> -> memref<1x1x50x64xf32, #tpu.memory_space<vmem>>
        %dma_wait3A_298 = tpu.memref_squeeze %dma_wait3A_297 : memref<1x1x50x64xf32, #tpu.memory_space<vmem>> -> memref<50x64xf32, #tpu.memory_space<vmem>>
        %dma_wait3A_299 = arith.constant 0 : i32
        %dma_wait3A_300 = tpu.memref_slice %arg5[%dma_wait3A_291, %dma_wait3A_292, %dma_wait3A_299] : memref<2x8x50xi32, #tpu.memory_space<vmem>> -> memref<1x1x50xi32, #tpu.memory_space<vmem>>
        %dma_wait3A_301 = tpu.memref_squeeze %dma_wait3A_300 : memref<1x1x50xi32, #tpu.memory_space<vmem>> -> memref<50xi32, #tpu.memory_space<vmem>>
        %dma_wait3A_302 = arith.constant 0 : i32
        %dma_wait3A_303 = arith.constant 0 : i32
        %dma_wait3A_304 = tpu.memref_slice %arg3[%dma_wait3A_302, %dma_wait3A_303] : memref<1000000x64xf32, #tpu.memory_space<hbm>> -> memref<1000000x64xf32, #tpu.memory_space<hbm>>
        tpu.wait_indirect_dma semaphore(%arg9 : memref<!tpu.dma_semaphore, #tpu.memory_space<semaphore_mem>>) src(%dma_wait3A_304 : memref<1000000x64xf32, #tpu.memory_space<hbm>>) dst(%dma_wait3A_298 : memref<50x64xf32, #tpu.memory_space<vmem>>)
        %add3A_305 = arith.constant 1 : i32
        %add3A_306 = arith.addi %scan3A_179, %add3A_305 : i32
        %lt3A = arith.constant 64 : i32
        %lt3A_307 = arith.cmpi slt, %add3A_306, %lt3A : i32
        %convert_element_type3A_308 = arith.extui %lt3A_307 : i1 to i32
        %cond3A_309 = arith.constant 0 : i32
        %cond3A_310 = arith.cmpi ne, %convert_element_type3A_308, %cond3A_309 : i32
        scf.if %cond3A_310 {
          %dma_wait3A_338 = arith.constant 1 : i32
          %dma_wait3A_339 = arith.constant 0 : i32
          %dma_wait3A_340 = arith.constant 0 : i32
          %dma_wait3A_341 = tpu.memref_slice %arg5[%dma_wait3A_338, %dma_wait3A_339, %dma_wait3A_340] : memref<2x8x50xi32, #tpu.memory_space<vmem>> -> memref<1x8x50xi32, #tpu.memory_space<vmem>>
          %dma_wait3A_342 = tpu.memref_squeeze %dma_wait3A_341 : memref<1x8x50xi32, #tpu.memory_space<vmem>> -> memref<8x50xi32, #tpu.memory_space<vmem>>
          %dma_wait3A_343 = arith.constant 0 : i32
          %dma_wait3A_344 = tpu.memref_slice %arg2[%mul3A_2, %dma_wait3A_343] : memref<16384x50xi32, #tpu.memory_space<hbm>> -> memref<8x50xi32, #tpu.memory_space<hbm>>
          %dma_wait3A_345 = arith.constant 0 : i32
          %dma_wait3A_346 = arith.constant 0 : i32
          %dma_wait3A_347 = tpu.memref_slice %arg5[%dma_wait3A_338, %dma_wait3A_345, %dma_wait3A_346] : memref<2x8x50xi32, #tpu.memory_space<vmem>> -> memref<1x8x50xi32, #tpu.memory_space<vmem>>
          %dma_wait3A_348 = tpu.memref_squeeze %dma_wait3A_347 : memref<1x8x50xi32, #tpu.memory_space<vmem>> -> memref<8x50xi32, #tpu.memory_space<vmem>>
          %dma_wait3A_349 = arith.constant 0 : i32
          %dma_wait3A_350 = tpu.memref_slice %arg2[%mul3A_2, %dma_wait3A_349] : memref<16384x50xi32, #tpu.memory_space<hbm>> -> memref<8x50xi32, #tpu.memory_space<hbm>>
          tpu.wait_dma2 semaphore(%arg8 : memref<!tpu.dma_semaphore, #tpu.memory_space<semaphore_mem>>) src(%dma_wait3A_350 : memref<8x50xi32, #tpu.memory_space<hbm>>) dst(%dma_wait3A_348 : memref<8x50xi32, #tpu.memory_space<vmem>>)
          %dma_start3A_351 = arith.constant 1 : i32
          %dma_start3A_352 = arith.constant 0 : i32
          %dma_start3A_353 = arith.constant 1 : i32
          %dma_start3A_354 = arith.constant 0 : i32
          %dma_start3A_355 = arith.constant 0 : i32
          %dma_start3A_356 = arith.constant 0 : i32
          %dma_start3A_357 = tpu.memref_slice %arg6[%dma_start3A_353, %dma_start3A_354, %dma_start3A_355, %dma_start3A_356] : memref<2x8x50x64xf32, #tpu.memory_space<vmem>> -> memref<1x1x50x64xf32, #tpu.memory_space<vmem>>
          %dma_start3A_358 = tpu.memref_squeeze %dma_start3A_357 : memref<1x1x50x64xf32, #tpu.memory_space<vmem>> -> memref<50x64xf32, #tpu.memory_space<vmem>>
          %dma_start3A_359 = arith.constant 0 : i32
          %dma_start3A_360 = tpu.memref_slice %arg5[%dma_start3A_351, %dma_start3A_352, %dma_start3A_359] : memref<2x8x50xi32, #tpu.memory_space<vmem>> -> memref<1x1x50xi32, #tpu.memory_space<vmem>>
          %dma_start3A_361 = tpu.memref_squeeze %dma_start3A_360 : memref<1x1x50xi32, #tpu.memory_space<vmem>> -> memref<50xi32, #tpu.memory_space<vmem>>
          %dma_start3A_362 = arith.constant 0 : i32
          %dma_start3A_363 = arith.constant 0 : i32
          %dma_start3A_364 = tpu.memref_slice %arg3[%dma_start3A_362, %dma_start3A_363] : memref<1000000x64xf32, #tpu.memory_space<hbm>> -> memref<1000000x64xf32, #tpu.memory_space<hbm>>
          tpu.enqueue_indirect_dma source(%dma_start3A_364 : memref<1000000x64xf32, #tpu.memory_space<hbm>>) target(%dma_start3A_358 : memref<50x64xf32, #tpu.memory_space<vmem>>) offsets(%dma_start3A_361 : memref<50xi32, #tpu.memory_space<vmem>>) semaphore(%arg10 : memref<!tpu.dma_semaphore, #tpu.memory_space<semaphore_mem>>)
          %dma_start3A_365 = arith.constant 1 : i32
          %dma_start3A_366 = arith.constant 1 : i32
          %dma_start3A_367 = arith.constant 1 : i32
          %dma_start3A_368 = arith.constant 1 : i32
          %dma_start3A_369 = arith.constant 0 : i32
          %dma_start3A_370 = arith.constant 0 : i32
          %dma_start3A_371 = tpu.memref_slice %arg6[%dma_start3A_367, %dma_start3A_368, %dma_start3A_369, %dma_start3A_370] : memref<2x8x50x64xf32, #tpu.memory_space<vmem>> -> memref<1x1x50x64xf32, #tpu.memory_space<vmem>>
          %dma_start3A_372 = tpu.memref_squeeze %dma_start3A_371 : memref<1x1x50x64xf32, #tpu.memory_space<vmem>> -> memref<50x64xf32, #tpu.memory_space<vmem>>
          %dma_start3A_373 = arith.constant 0 : i32
          %dma_start3A_374 = tpu.memref_slice %arg5[%dma_start3A_365, %dma_start3A_366, %dma_start3A_373] : memref<2x8x50xi32, #tpu.memory_space<vmem>> -> memref<1x1x50xi32, #tpu.memory_space<vmem>>
          %dma_start3A_375 = tpu.memref_squeeze %dma_start3A_374 : memref<1x1x50xi32, #tpu.memory_space<vmem>> -> memref<50xi32, #tpu.memory_space<vmem>>
          %dma_start3A_376 = arith.constant 0 : i32
          %dma_start3A_377 = arith.constant 0 : i32
          %dma_start3A_378 = tpu.memref_slice %arg3[%dma_start3A_376, %dma_start3A_377] : memref<1000000x64xf32, #tpu.memory_space<hbm>> -> memref<1000000x64xf32, #tpu.memory_space<hbm>>
          tpu.enqueue_indirect_dma source(%dma_start3A_378 : memref<1000000x64xf32, #tpu.memory_space<hbm>>) target(%dma_start3A_372 : memref<50x64xf32, #tpu.memory_space<vmem>>) offsets(%dma_start3A_375 : memref<50xi32, #tpu.memory_space<vmem>>) semaphore(%arg10 : memref<!tpu.dma_semaphore, #tpu.memory_space<semaphore_mem>>)
          %dma_start3A_379 = arith.constant 1 : i32
          %dma_start3A_380 = arith.constant 2 : i32
          %dma_start3A_381 = arith.constant 1 : i32
          %dma_start3A_382 = arith.constant 2 : i32
          %dma_start3A_383 = arith.constant 0 : i32
          %dma_start3A_384 = arith.constant 0 : i32
          %dma_start3A_385 = tpu.memref_slice %arg6[%dma_start3A_381, %dma_start3A_382, %dma_start3A_383, %dma_start3A_384] : memref<2x8x50x64xf32, #tpu.memory_space<vmem>> -> memref<1x1x50x64xf32, #tpu.memory_space<vmem>>
          %dma_start3A_386 = tpu.memref_squeeze %dma_start3A_385 : memref<1x1x50x64xf32, #tpu.memory_space<vmem>> -> memref<50x64xf32, #tpu.memory_space<vmem>>
          %dma_start3A_387 = arith.constant 0 : i32
          %dma_start3A_388 = tpu.memref_slice %arg5[%dma_start3A_379, %dma_start3A_380, %dma_start3A_387] : memref<2x8x50xi32, #tpu.memory_space<vmem>> -> memref<1x1x50xi32, #tpu.memory_space<vmem>>
          %dma_start3A_389 = tpu.memref_squeeze %dma_start3A_388 : memref<1x1x50xi32, #tpu.memory_space<vmem>> -> memref<50xi32, #tpu.memory_space<vmem>>
          %dma_start3A_390 = arith.constant 0 : i32
          %dma_start3A_391 = arith.constant 0 : i32
          %dma_start3A_392 = tpu.memref_slice %arg3[%dma_start3A_390, %dma_start3A_391] : memref<1000000x64xf32, #tpu.memory_space<hbm>> -> memref<1000000x64xf32, #tpu.memory_space<hbm>>
          tpu.enqueue_indirect_dma source(%dma_start3A_392 : memref<1000000x64xf32, #tpu.memory_space<hbm>>) target(%dma_start3A_386 : memref<50x64xf32, #tpu.memory_space<vmem>>) offsets(%dma_start3A_389 : memref<50xi32, #tpu.memory_space<vmem>>) semaphore(%arg10 : memref<!tpu.dma_semaphore, #tpu.memory_space<semaphore_mem>>)
          %dma_start3A_393 = arith.constant 1 : i32
          %dma_start3A_394 = arith.constant 3 : i32
          %dma_start3A_395 = arith.constant 1 : i32
          %dma_start3A_396 = arith.constant 3 : i32
          %dma_start3A_397 = arith.constant 0 : i32
          %dma_start3A_398 = arith.constant 0 : i32
          %dma_start3A_399 = tpu.memref_slice %arg6[%dma_start3A_395, %dma_start3A_396, %dma_start3A_397, %dma_start3A_398] : memref<2x8x50x64xf32, #tpu.memory_space<vmem>> -> memref<1x1x50x64xf32, #tpu.memory_space<vmem>>
          %dma_start3A_400 = tpu.memref_squeeze %dma_start3A_399 : memref<1x1x50x64xf32, #tpu.memory_space<vmem>> -> memref<50x64xf32, #tpu.memory_space<vmem>>
          %dma_start3A_401 = arith.constant 0 : i32
          %dma_start3A_402 = tpu.memref_slice %arg5[%dma_start3A_393, %dma_start3A_394, %dma_start3A_401] : memref<2x8x50xi32, #tpu.memory_space<vmem>> -> memref<1x1x50xi32, #tpu.memory_space<vmem>>
          %dma_start3A_403 = tpu.memref_squeeze %dma_start3A_402 : memref<1x1x50xi32, #tpu.memory_space<vmem>> -> memref<50xi32, #tpu.memory_space<vmem>>
          %dma_start3A_404 = arith.constant 0 : i32
          %dma_start3A_405 = arith.constant 0 : i32
          %dma_start3A_406 = tpu.memref_slice %arg3[%dma_start3A_404, %dma_start3A_405] : memref<1000000x64xf32, #tpu.memory_space<hbm>> -> memref<1000000x64xf32, #tpu.memory_space<hbm>>
          tpu.enqueue_indirect_dma source(%dma_start3A_406 : memref<1000000x64xf32, #tpu.memory_space<hbm>>) target(%dma_start3A_400 : memref<50x64xf32, #tpu.memory_space<vmem>>) offsets(%dma_start3A_403 : memref<50xi32, #tpu.memory_space<vmem>>) semaphore(%arg10 : memref<!tpu.dma_semaphore, #tpu.memory_space<semaphore_mem>>)
          %dma_start3A_407 = arith.constant 1 : i32
          %dma_start3A_408 = arith.constant 4 : i32
          %dma_start3A_409 = arith.constant 1 : i32
          %dma_start3A_410 = arith.constant 4 : i32
          %dma_start3A_411 = arith.constant 0 : i32
          %dma_start3A_412 = arith.constant 0 : i32
          %dma_start3A_413 = tpu.memref_slice %arg6[%dma_start3A_409, %dma_start3A_410, %dma_start3A_411, %dma_start3A_412] : memref<2x8x50x64xf32, #tpu.memory_space<vmem>> -> memref<1x1x50x64xf32, #tpu.memory_space<vmem>>
          %dma_start3A_414 = tpu.memref_squeeze %dma_start3A_413 : memref<1x1x50x64xf32, #tpu.memory_space<vmem>> -> memref<50x64xf32, #tpu.memory_space<vmem>>
          %dma_start3A_415 = arith.constant 0 : i32
          %dma_start3A_416 = tpu.memref_slice %arg5[%dma_start3A_407, %dma_start3A_408, %dma_start3A_415] : memref<2x8x50xi32, #tpu.memory_space<vmem>> -> memref<1x1x50xi32, #tpu.memory_space<vmem>>
          %dma_start3A_417 = tpu.memref_squeeze %dma_start3A_416 : memref<1x1x50xi32, #tpu.memory_space<vmem>> -> memref<50xi32, #tpu.memory_space<vmem>>
          %dma_start3A_418 = arith.constant 0 : i32
          %dma_start3A_419 = arith.constant 0 : i32
          %dma_start3A_420 = tpu.memref_slice %arg3[%dma_start3A_418, %dma_start3A_419] : memref<1000000x64xf32, #tpu.memory_space<hbm>> -> memref<1000000x64xf32, #tpu.memory_space<hbm>>
          tpu.enqueue_indirect_dma source(%dma_start3A_420 : memref<1000000x64xf32, #tpu.memory_space<hbm>>) target(%dma_start3A_414 : memref<50x64xf32, #tpu.memory_space<vmem>>) offsets(%dma_start3A_417 : memref<50xi32, #tpu.memory_space<vmem>>) semaphore(%arg10 : memref<!tpu.dma_semaphore, #tpu.memory_space<semaphore_mem>>)
          %dma_start3A_421 = arith.constant 1 : i32
          %dma_start3A_422 = arith.constant 5 : i32
          %dma_start3A_423 = arith.constant 1 : i32
          %dma_start3A_424 = arith.constant 5 : i32
          %dma_start3A_425 = arith.constant 0 : i32
          %dma_start3A_426 = arith.constant 0 : i32
          %dma_start3A_427 = tpu.memref_slice %arg6[%dma_start3A_423, %dma_start3A_424, %dma_start3A_425, %dma_start3A_426] : memref<2x8x50x64xf32, #tpu.memory_space<vmem>> -> memref<1x1x50x64xf32, #tpu.memory_space<vmem>>
          %dma_start3A_428 = tpu.memref_squeeze %dma_start3A_427 : memref<1x1x50x64xf32, #tpu.memory_space<vmem>> -> memref<50x64xf32, #tpu.memory_space<vmem>>
          %dma_start3A_429 = arith.constant 0 : i32
          %dma_start3A_430 = tpu.memref_slice %arg5[%dma_start3A_421, %dma_start3A_422, %dma_start3A_429] : memref<2x8x50xi32, #tpu.memory_space<vmem>> -> memref<1x1x50xi32, #tpu.memory_space<vmem>>
          %dma_start3A_431 = tpu.memref_squeeze %dma_start3A_430 : memref<1x1x50xi32, #tpu.memory_space<vmem>> -> memref<50xi32, #tpu.memory_space<vmem>>
          %dma_start3A_432 = arith.constant 0 : i32
          %dma_start3A_433 = arith.constant 0 : i32
          %dma_start3A_434 = tpu.memref_slice %arg3[%dma_start3A_432, %dma_start3A_433] : memref<1000000x64xf32, #tpu.memory_space<hbm>> -> memref<1000000x64xf32, #tpu.memory_space<hbm>>
          tpu.enqueue_indirect_dma source(%dma_start3A_434 : memref<1000000x64xf32, #tpu.memory_space<hbm>>) target(%dma_start3A_428 : memref<50x64xf32, #tpu.memory_space<vmem>>) offsets(%dma_start3A_431 : memref<50xi32, #tpu.memory_space<vmem>>) semaphore(%arg10 : memref<!tpu.dma_semaphore, #tpu.memory_space<semaphore_mem>>)
          %dma_start3A_435 = arith.constant 1 : i32
          %dma_start3A_436 = arith.constant 6 : i32
          %dma_start3A_437 = arith.constant 1 : i32
          %dma_start3A_438 = arith.constant 6 : i32
          %dma_start3A_439 = arith.constant 0 : i32
          %dma_start3A_440 = arith.constant 0 : i32
          %dma_start3A_441 = tpu.memref_slice %arg6[%dma_start3A_437, %dma_start3A_438, %dma_start3A_439, %dma_start3A_440] : memref<2x8x50x64xf32, #tpu.memory_space<vmem>> -> memref<1x1x50x64xf32, #tpu.memory_space<vmem>>
          %dma_start3A_442 = tpu.memref_squeeze %dma_start3A_441 : memref<1x1x50x64xf32, #tpu.memory_space<vmem>> -> memref<50x64xf32, #tpu.memory_space<vmem>>
          %dma_start3A_443 = arith.constant 0 : i32
          %dma_start3A_444 = tpu.memref_slice %arg5[%dma_start3A_435, %dma_start3A_436, %dma_start3A_443] : memref<2x8x50xi32, #tpu.memory_space<vmem>> -> memref<1x1x50xi32, #tpu.memory_space<vmem>>
          %dma_start3A_445 = tpu.memref_squeeze %dma_start3A_444 : memref<1x1x50xi32, #tpu.memory_space<vmem>> -> memref<50xi32, #tpu.memory_space<vmem>>
          %dma_start3A_446 = arith.constant 0 : i32
          %dma_start3A_447 = arith.constant 0 : i32
          %dma_start3A_448 = tpu.memref_slice %arg3[%dma_start3A_446, %dma_start3A_447] : memref<1000000x64xf32, #tpu.memory_space<hbm>> -> memref<1000000x64xf32, #tpu.memory_space<hbm>>
          tpu.enqueue_indirect_dma source(%dma_start3A_448 : memref<1000000x64xf32, #tpu.memory_space<hbm>>) target(%dma_start3A_442 : memref<50x64xf32, #tpu.memory_space<vmem>>) offsets(%dma_start3A_445 : memref<50xi32, #tpu.memory_space<vmem>>) semaphore(%arg10 : memref<!tpu.dma_semaphore, #tpu.memory_space<semaphore_mem>>)
          %dma_start3A_449 = arith.constant 1 : i32
          %dma_start3A_450 = arith.constant 7 : i32
          %dma_start3A_451 = arith.constant 1 : i32
          %dma_start3A_452 = arith.constant 7 : i32
          %dma_start3A_453 = arith.constant 0 : i32
          %dma_start3A_454 = arith.constant 0 : i32
          %dma_start3A_455 = tpu.memref_slice %arg6[%dma_start3A_451, %dma_start3A_452, %dma_start3A_453, %dma_start3A_454] : memref<2x8x50x64xf32, #tpu.memory_space<vmem>> -> memref<1x1x50x64xf32, #tpu.memory_space<vmem>>
          %dma_start3A_456 = tpu.memref_squeeze %dma_start3A_455 : memref<1x1x50x64xf32, #tpu.memory_space<vmem>> -> memref<50x64xf32, #tpu.memory_space<vmem>>
          %dma_start3A_457 = arith.constant 0 : i32
          %dma_start3A_458 = tpu.memref_slice %arg5[%dma_start3A_449, %dma_start3A_450, %dma_start3A_457] : memref<2x8x50xi32, #tpu.memory_space<vmem>> -> memref<1x1x50xi32, #tpu.memory_space<vmem>>
          %dma_start3A_459 = tpu.memref_squeeze %dma_start3A_458 : memref<1x1x50xi32, #tpu.memory_space<vmem>> -> memref<50xi32, #tpu.memory_space<vmem>>
          %dma_start3A_460 = arith.constant 0 : i32
          %dma_start3A_461 = arith.constant 0 : i32
          %dma_start3A_462 = tpu.memref_slice %arg3[%dma_start3A_460, %dma_start3A_461] : memref<1000000x64xf32, #tpu.memory_space<hbm>> -> memref<1000000x64xf32, #tpu.memory_space<hbm>>
          tpu.enqueue_indirect_dma source(%dma_start3A_462 : memref<1000000x64xf32, #tpu.memory_space<hbm>>) target(%dma_start3A_456 : memref<50x64xf32, #tpu.memory_space<vmem>>) offsets(%dma_start3A_459 : memref<50xi32, #tpu.memory_space<vmem>>) semaphore(%arg10 : memref<!tpu.dma_semaphore, #tpu.memory_space<semaphore_mem>>)
        } else {
        }
        %add3A_311 = arith.constant 2 : i32
        %add3A_312 = arith.addi %scan3A_179, %add3A_311 : i32
        %lt3A_313 = arith.constant 64 : i32
        %lt3A_314 = arith.cmpi slt, %add3A_312, %lt3A_313 : i32
        %convert_element_type3A_315 = arith.extui %lt3A_314 : i1 to i32
        %cond3A_316 = arith.constant 0 : i32
        %cond3A_317 = arith.cmpi ne, %convert_element_type3A_315, %cond3A_316 : i32
        scf.if %cond3A_317 {
          %add3A_338 = arith.constant 2 : i32
          %add3A_339 = arith.addi %scan3A_179, %add3A_338 : i32
          %mul3A_340 = arith.constant 8 : i32
          %mul3A_341 = arith.muli %add3A_339, %mul3A_340 : i32
          %add3A_342 = arith.addi %mul3A_2, %mul3A_341 : i32
          %dma_start3A_343 = arith.constant 0 : i32
          %dma_start3A_344 = arith.constant 0 : i32
          %dma_start3A_345 = arith.constant 0 : i32
          %dma_start3A_346 = tpu.memref_slice %arg5[%dma_start3A_343, %dma_start3A_344, %dma_start3A_345] : memref<2x8x50xi32, #tpu.memory_space<vmem>> -> memref<1x8x50xi32, #tpu.memory_space<vmem>>
          %dma_start3A_347 = tpu.memref_squeeze %dma_start3A_346 : memref<1x8x50xi32, #tpu.memory_space<vmem>> -> memref<8x50xi32, #tpu.memory_space<vmem>>
          %dma_start3A_348 = arith.constant 0 : i32
          %dma_start3A_349 = tpu.memref_slice %arg2[%add3A_342, %dma_start3A_348] : memref<16384x50xi32, #tpu.memory_space<hbm>> -> memref<8x50xi32, #tpu.memory_space<hbm>>
          %dma_start3A_350 = arith.constant 0 : i32
          %dma_start3A_351 = arith.constant 0 : i32
          %dma_start3A_352 = tpu.memref_slice %arg5[%dma_start3A_343, %dma_start3A_350, %dma_start3A_351] : memref<2x8x50xi32, #tpu.memory_space<vmem>> -> memref<1x8x50xi32, #tpu.memory_space<vmem>>
          %dma_start3A_353 = tpu.memref_squeeze %dma_start3A_352 : memref<1x8x50xi32, #tpu.memory_space<vmem>> -> memref<8x50xi32, #tpu.memory_space<vmem>>
          %dma_start3A_354 = arith.constant 0 : i32
          %dma_start3A_355 = tpu.memref_slice %arg2[%add3A_342, %dma_start3A_354] : memref<16384x50xi32, #tpu.memory_space<hbm>> -> memref<8x50xi32, #tpu.memory_space<hbm>>
          tpu.enqueue_dma source(%dma_start3A_355 : memref<8x50xi32, #tpu.memory_space<hbm>>) target(%dma_start3A_353 : memref<8x50xi32, #tpu.memory_space<vmem>>) target_semaphore(%arg7 : memref<!tpu.dma_semaphore, #tpu.memory_space<semaphore_mem>>)
        } else {
        }
        %mul3A_318 = arith.constant 8 : i32
        %mul3A_319 = arith.muli %scan3A_179, %mul3A_318 : i32
        %add3A_320 = arith.addi %mul3A_2, %mul3A_319 : i32
        %dma_start3A_321 = arith.constant 0 : i32
        %dma_start3A_322 = arith.constant 0 : i32
        %dma_start3A_323 = arith.constant 0 : i32
        %dma_start3A_324 = arith.constant 0 : i32
        %dma_start3A_325 = tpu.memref_slice %arg6[%dma_start3A_321, %dma_start3A_322, %dma_start3A_323, %dma_start3A_324] : memref<2x8x50x64xf32, #tpu.memory_space<vmem>> -> memref<1x8x50x64xf32, #tpu.memory_space<vmem>>
        %dma_start3A_326 = tpu.memref_squeeze %dma_start3A_325 : memref<1x8x50x64xf32, #tpu.memory_space<vmem>> -> memref<8x50x64xf32, #tpu.memory_space<vmem>>
        %dma_start3A_327 = arith.constant 0 : i32
        %dma_start3A_328 = arith.constant 0 : i32
        %dma_start3A_329 = tpu.memref_slice %arg4[%add3A_320, %dma_start3A_327, %dma_start3A_328] : memref<16384x56x128xf32, #tpu.memory_space<hbm>> -> memref<8x50x64xf32, #tpu.memory_space<hbm>>
        %dma_start3A_330 = arith.constant 0 : i32
        %dma_start3A_331 = arith.constant 0 : i32
        %dma_start3A_332 = tpu.memref_slice %arg4[%add3A_320, %dma_start3A_330, %dma_start3A_331] : memref<16384x56x128xf32, #tpu.memory_space<hbm>> -> memref<8x50x64xf32, #tpu.memory_space<hbm>>
        %dma_start3A_333 = arith.constant 0 : i32
        %dma_start3A_334 = arith.constant 0 : i32
        %dma_start3A_335 = arith.constant 0 : i32
        %dma_start3A_336 = tpu.memref_slice %arg6[%dma_start3A_321, %dma_start3A_333, %dma_start3A_334, %dma_start3A_335] : memref<2x8x50x64xf32, #tpu.memory_space<vmem>> -> memref<1x8x50x64xf32, #tpu.memory_space<vmem>>
        %dma_start3A_337 = tpu.memref_squeeze %dma_start3A_336 : memref<1x8x50x64xf32, #tpu.memory_space<vmem>> -> memref<8x50x64xf32, #tpu.memory_space<vmem>>
        tpu.enqueue_dma source(%dma_start3A_337 : memref<8x50x64xf32, #tpu.memory_space<vmem>>) target(%dma_start3A_332 : memref<8x50x64xf32, #tpu.memory_space<hbm>>) target_semaphore(%arg11 : memref<!tpu.dma_semaphore, #tpu.memory_space<semaphore_mem>>)
      } else {
      }
      %not3A = arith.constant true
      %not3A_184 = arith.xori %eq3A_182, %not3A : i1
      %convert_element_type3A_185 = arith.extui %not3A_184 : i1 to i32
      %cond3A_186 = arith.constant 0 : i32
      %cond3A_187 = arith.cmpi ne, %convert_element_type3A_185, %cond3A_186 : i32
      scf.if %cond3A_187 {
        %gt3A = arith.constant 0 : i32
        %gt3A_189 = arith.cmpi sgt, %scan3A_179, %gt3A : i32
        %convert_element_type3A_190 = arith.extui %gt3A_189 : i1 to i32
        %cond3A_191 = arith.constant 0 : i32
        %cond3A_192 = arith.cmpi ne, %convert_element_type3A_190, %cond3A_191 : i32
        scf.if %cond3A_192 {
          %dma_wait3A_338 = arith.constant 0 : i32
          %dma_wait3A_339 = arith.constant 0 : i32
          %dma_wait3A_340 = arith.constant 0 : i32
          %dma_wait3A_341 = arith.constant 0 : i32
          %dma_wait3A_342 = tpu.memref_slice %arg6[%dma_wait3A_338, %dma_wait3A_339, %dma_wait3A_340, %dma_wait3A_341] : memref<2x8x50x64xf32, #tpu.memory_space<vmem>> -> memref<1x8x50x64xf32, #tpu.memory_space<vmem>>
          %dma_wait3A_343 = tpu.memref_squeeze %dma_wait3A_342 : memref<1x8x50x64xf32, #tpu.memory_space<vmem>> -> memref<8x50x64xf32, #tpu.memory_space<vmem>>
          %dma_wait3A_344 = arith.constant 0 : i32
          %dma_wait3A_345 = arith.constant 0 : i32
          %dma_wait3A_346 = tpu.memref_slice %arg4[%mul3A_2, %dma_wait3A_344, %dma_wait3A_345] : memref<16384x56x128xf32, #tpu.memory_space<hbm>> -> memref<8x50x64xf32, #tpu.memory_space<hbm>>
          %dma_wait3A_347 = arith.constant 0 : i32
          %dma_wait3A_348 = arith.constant 0 : i32
          %dma_wait3A_349 = tpu.memref_slice %arg4[%mul3A_2, %dma_wait3A_347, %dma_wait3A_348] : memref<16384x56x128xf32, #tpu.memory_space<hbm>> -> memref<8x50x64xf32, #tpu.memory_space<hbm>>
          %dma_wait3A_350 = arith.constant 0 : i32
          %dma_wait3A_351 = arith.constant 0 : i32
          %dma_wait3A_352 = arith.constant 0 : i32
          %dma_wait3A_353 = tpu.memref_slice %arg6[%dma_wait3A_338, %dma_wait3A_350, %dma_wait3A_351, %dma_wait3A_352] : memref<2x8x50x64xf32, #tpu.memory_space<vmem>> -> memref<1x8x50x64xf32, #tpu.memory_space<vmem>>
          %dma_wait3A_354 = tpu.memref_squeeze %dma_wait3A_353 : memref<1x8x50x64xf32, #tpu.memory_space<vmem>> -> memref<8x50x64xf32, #tpu.memory_space<vmem>>
          tpu.wait_dma2 semaphore(%arg11 : memref<!tpu.dma_semaphore, #tpu.memory_space<semaphore_mem>>) src(%dma_wait3A_354 : memref<8x50x64xf32, #tpu.memory_space<vmem>>) dst(%dma_wait3A_349 : memref<8x50x64xf32, #tpu.memory_space<hbm>>)
        } else {
        }
        %dma_wait3A_193 = arith.constant 1 : i32
        %dma_wait3A_194 = arith.constant 0 : i32
        %dma_wait3A_195 = arith.constant 1 : i32
        %dma_wait3A_196 = arith.constant 0 : i32
        %dma_wait3A_197 = arith.constant 0 : i32
        %dma_wait3A_198 = arith.constant 0 : i32
        %dma_wait3A_199 = tpu.memref_slice %arg6[%dma_wait3A_195, %dma_wait3A_196, %dma_wait3A_197, %dma_wait3A_198] : memref<2x8x50x64xf32, #tpu.memory_space<vmem>> -> memref<1x1x50x64xf32, #tpu.memory_space<vmem>>
        %dma_wait3A_200 = tpu.memref_squeeze %dma_wait3A_199 : memref<1x1x50x64xf32, #tpu.memory_space<vmem>> -> memref<50x64xf32, #tpu.memory_space<vmem>>
        %dma_wait3A_201 = arith.constant 0 : i32
        %dma_wait3A_202 = tpu.memref_slice %arg5[%dma_wait3A_193, %dma_wait3A_194, %dma_wait3A_201] : memref<2x8x50xi32, #tpu.memory_space<vmem>> -> memref<1x1x50xi32, #tpu.memory_space<vmem>>
        %dma_wait3A_203 = tpu.memref_squeeze %dma_wait3A_202 : memref<1x1x50xi32, #tpu.memory_space<vmem>> -> memref<50xi32, #tpu.memory_space<vmem>>
        %dma_wait3A_204 = arith.constant 0 : i32
        %dma_wait3A_205 = arith.constant 0 : i32
        %dma_wait3A_206 = tpu.memref_slice %arg3[%dma_wait3A_204, %dma_wait3A_205] : memref<1000000x64xf32, #tpu.memory_space<hbm>> -> memref<1000000x64xf32, #tpu.memory_space<hbm>>
        tpu.wait_indirect_dma semaphore(%arg10 : memref<!tpu.dma_semaphore, #tpu.memory_space<semaphore_mem>>) src(%dma_wait3A_206 : memref<1000000x64xf32, #tpu.memory_space<hbm>>) dst(%dma_wait3A_200 : memref<50x64xf32, #tpu.memory_space<vmem>>)
        %dma_wait3A_207 = arith.constant 1 : i32
        %dma_wait3A_208 = arith.constant 1 : i32
        %dma_wait3A_209 = arith.constant 1 : i32
        %dma_wait3A_210 = arith.constant 1 : i32
        %dma_wait3A_211 = arith.constant 0 : i32
        %dma_wait3A_212 = arith.constant 0 : i32
        %dma_wait3A_213 = tpu.memref_slice %arg6[%dma_wait3A_209, %dma_wait3A_210, %dma_wait3A_211, %dma_wait3A_212] : memref<2x8x50x64xf32, #tpu.memory_space<vmem>> -> memref<1x1x50x64xf32, #tpu.memory_space<vmem>>
        %dma_wait3A_214 = tpu.memref_squeeze %dma_wait3A_213 : memref<1x1x50x64xf32, #tpu.memory_space<vmem>> -> memref<50x64xf32, #tpu.memory_space<vmem>>
        %dma_wait3A_215 = arith.constant 0 : i32
        %dma_wait3A_216 = tpu.memref_slice %arg5[%dma_wait3A_207, %dma_wait3A_208, %dma_wait3A_215] : memref<2x8x50xi32, #tpu.memory_space<vmem>> -> memref<1x1x50xi32, #tpu.memory_space<vmem>>
        %dma_wait3A_217 = tpu.memref_squeeze %dma_wait3A_216 : memref<1x1x50xi32, #tpu.memory_space<vmem>> -> memref<50xi32, #tpu.memory_space<vmem>>
        %dma_wait3A_218 = arith.constant 0 : i32
        %dma_wait3A_219 = arith.constant 0 : i32
        %dma_wait3A_220 = tpu.memref_slice %arg3[%dma_wait3A_218, %dma_wait3A_219] : memref<1000000x64xf32, #tpu.memory_space<hbm>> -> memref<1000000x64xf32, #tpu.memory_space<hbm>>
        tpu.wait_indirect_dma semaphore(%arg10 : memref<!tpu.dma_semaphore, #tpu.memory_space<semaphore_mem>>) src(%dma_wait3A_220 : memref<1000000x64xf32, #tpu.memory_space<hbm>>) dst(%dma_wait3A_214 : memref<50x64xf32, #tpu.memory_space<vmem>>)
        %dma_wait3A_221 = arith.constant 1 : i32
        %dma_wait3A_222 = arith.constant 2 : i32
        %dma_wait3A_223 = arith.constant 1 : i32
        %dma_wait3A_224 = arith.constant 2 : i32
        %dma_wait3A_225 = arith.constant 0 : i32
        %dma_wait3A_226 = arith.constant 0 : i32
        %dma_wait3A_227 = tpu.memref_slice %arg6[%dma_wait3A_223, %dma_wait3A_224, %dma_wait3A_225, %dma_wait3A_226] : memref<2x8x50x64xf32, #tpu.memory_space<vmem>> -> memref<1x1x50x64xf32, #tpu.memory_space<vmem>>
        %dma_wait3A_228 = tpu.memref_squeeze %dma_wait3A_227 : memref<1x1x50x64xf32, #tpu.memory_space<vmem>> -> memref<50x64xf32, #tpu.memory_space<vmem>>
        %dma_wait3A_229 = arith.constant 0 : i32
        %dma_wait3A_230 = tpu.memref_slice %arg5[%dma_wait3A_221, %dma_wait3A_222, %dma_wait3A_229] : memref<2x8x50xi32, #tpu.memory_space<vmem>> -> memref<1x1x50xi32, #tpu.memory_space<vmem>>
        %dma_wait3A_231 = tpu.memref_squeeze %dma_wait3A_230 : memref<1x1x50xi32, #tpu.memory_space<vmem>> -> memref<50xi32, #tpu.memory_space<vmem>>
        %dma_wait3A_232 = arith.constant 0 : i32
        %dma_wait3A_233 = arith.constant 0 : i32
        %dma_wait3A_234 = tpu.memref_slice %arg3[%dma_wait3A_232, %dma_wait3A_233] : memref<1000000x64xf32, #tpu.memory_space<hbm>> -> memref<1000000x64xf32, #tpu.memory_space<hbm>>
        tpu.wait_indirect_dma semaphore(%arg10 : memref<!tpu.dma_semaphore, #tpu.memory_space<semaphore_mem>>) src(%dma_wait3A_234 : memref<1000000x64xf32, #tpu.memory_space<hbm>>) dst(%dma_wait3A_228 : memref<50x64xf32, #tpu.memory_space<vmem>>)
        %dma_wait3A_235 = arith.constant 1 : i32
        %dma_wait3A_236 = arith.constant 3 : i32
        %dma_wait3A_237 = arith.constant 1 : i32
        %dma_wait3A_238 = arith.constant 3 : i32
        %dma_wait3A_239 = arith.constant 0 : i32
        %dma_wait3A_240 = arith.constant 0 : i32
        %dma_wait3A_241 = tpu.memref_slice %arg6[%dma_wait3A_237, %dma_wait3A_238, %dma_wait3A_239, %dma_wait3A_240] : memref<2x8x50x64xf32, #tpu.memory_space<vmem>> -> memref<1x1x50x64xf32, #tpu.memory_space<vmem>>
        %dma_wait3A_242 = tpu.memref_squeeze %dma_wait3A_241 : memref<1x1x50x64xf32, #tpu.memory_space<vmem>> -> memref<50x64xf32, #tpu.memory_space<vmem>>
        %dma_wait3A_243 = arith.constant 0 : i32
        %dma_wait3A_244 = tpu.memref_slice %arg5[%dma_wait3A_235, %dma_wait3A_236, %dma_wait3A_243] : memref<2x8x50xi32, #tpu.memory_space<vmem>> -> memref<1x1x50xi32, #tpu.memory_space<vmem>>
        %dma_wait3A_245 = tpu.memref_squeeze %dma_wait3A_244 : memref<1x1x50xi32, #tpu.memory_space<vmem>> -> memref<50xi32, #tpu.memory_space<vmem>>
        %dma_wait3A_246 = arith.constant 0 : i32
        %dma_wait3A_247 = arith.constant 0 : i32
        %dma_wait3A_248 = tpu.memref_slice %arg3[%dma_wait3A_246, %dma_wait3A_247] : memref<1000000x64xf32, #tpu.memory_space<hbm>> -> memref<1000000x64xf32, #tpu.memory_space<hbm>>
        tpu.wait_indirect_dma semaphore(%arg10 : memref<!tpu.dma_semaphore, #tpu.memory_space<semaphore_mem>>) src(%dma_wait3A_248 : memref<1000000x64xf32, #tpu.memory_space<hbm>>) dst(%dma_wait3A_242 : memref<50x64xf32, #tpu.memory_space<vmem>>)
        %dma_wait3A_249 = arith.constant 1 : i32
        %dma_wait3A_250 = arith.constant 4 : i32
        %dma_wait3A_251 = arith.constant 1 : i32
        %dma_wait3A_252 = arith.constant 4 : i32
        %dma_wait3A_253 = arith.constant 0 : i32
        %dma_wait3A_254 = arith.constant 0 : i32
        %dma_wait3A_255 = tpu.memref_slice %arg6[%dma_wait3A_251, %dma_wait3A_252, %dma_wait3A_253, %dma_wait3A_254] : memref<2x8x50x64xf32, #tpu.memory_space<vmem>> -> memref<1x1x50x64xf32, #tpu.memory_space<vmem>>
        %dma_wait3A_256 = tpu.memref_squeeze %dma_wait3A_255 : memref<1x1x50x64xf32, #tpu.memory_space<vmem>> -> memref<50x64xf32, #tpu.memory_space<vmem>>
        %dma_wait3A_257 = arith.constant 0 : i32
        %dma_wait3A_258 = tpu.memref_slice %arg5[%dma_wait3A_249, %dma_wait3A_250, %dma_wait3A_257] : memref<2x8x50xi32, #tpu.memory_space<vmem>> -> memref<1x1x50xi32, #tpu.memory_space<vmem>>
        %dma_wait3A_259 = tpu.memref_squeeze %dma_wait3A_258 : memref<1x1x50xi32, #tpu.memory_space<vmem>> -> memref<50xi32, #tpu.memory_space<vmem>>
        %dma_wait3A_260 = arith.constant 0 : i32
        %dma_wait3A_261 = arith.constant 0 : i32
        %dma_wait3A_262 = tpu.memref_slice %arg3[%dma_wait3A_260, %dma_wait3A_261] : memref<1000000x64xf32, #tpu.memory_space<hbm>> -> memref<1000000x64xf32, #tpu.memory_space<hbm>>
        tpu.wait_indirect_dma semaphore(%arg10 : memref<!tpu.dma_semaphore, #tpu.memory_space<semaphore_mem>>) src(%dma_wait3A_262 : memref<1000000x64xf32, #tpu.memory_space<hbm>>) dst(%dma_wait3A_256 : memref<50x64xf32, #tpu.memory_space<vmem>>)
        %dma_wait3A_263 = arith.constant 1 : i32
        %dma_wait3A_264 = arith.constant 5 : i32
        %dma_wait3A_265 = arith.constant 1 : i32
        %dma_wait3A_266 = arith.constant 5 : i32
        %dma_wait3A_267 = arith.constant 0 : i32
        %dma_wait3A_268 = arith.constant 0 : i32
        %dma_wait3A_269 = tpu.memref_slice %arg6[%dma_wait3A_265, %dma_wait3A_266, %dma_wait3A_267, %dma_wait3A_268] : memref<2x8x50x64xf32, #tpu.memory_space<vmem>> -> memref<1x1x50x64xf32, #tpu.memory_space<vmem>>
        %dma_wait3A_270 = tpu.memref_squeeze %dma_wait3A_269 : memref<1x1x50x64xf32, #tpu.memory_space<vmem>> -> memref<50x64xf32, #tpu.memory_space<vmem>>
        %dma_wait3A_271 = arith.constant 0 : i32
        %dma_wait3A_272 = tpu.memref_slice %arg5[%dma_wait3A_263, %dma_wait3A_264, %dma_wait3A_271] : memref<2x8x50xi32, #tpu.memory_space<vmem>> -> memref<1x1x50xi32, #tpu.memory_space<vmem>>
        %dma_wait3A_273 = tpu.memref_squeeze %dma_wait3A_272 : memref<1x1x50xi32, #tpu.memory_space<vmem>> -> memref<50xi32, #tpu.memory_space<vmem>>
        %dma_wait3A_274 = arith.constant 0 : i32
        %dma_wait3A_275 = arith.constant 0 : i32
        %dma_wait3A_276 = tpu.memref_slice %arg3[%dma_wait3A_274, %dma_wait3A_275] : memref<1000000x64xf32, #tpu.memory_space<hbm>> -> memref<1000000x64xf32, #tpu.memory_space<hbm>>
        tpu.wait_indirect_dma semaphore(%arg10 : memref<!tpu.dma_semaphore, #tpu.memory_space<semaphore_mem>>) src(%dma_wait3A_276 : memref<1000000x64xf32, #tpu.memory_space<hbm>>) dst(%dma_wait3A_270 : memref<50x64xf32, #tpu.memory_space<vmem>>)
        %dma_wait3A_277 = arith.constant 1 : i32
        %dma_wait3A_278 = arith.constant 6 : i32
        %dma_wait3A_279 = arith.constant 1 : i32
        %dma_wait3A_280 = arith.constant 6 : i32
        %dma_wait3A_281 = arith.constant 0 : i32
        %dma_wait3A_282 = arith.constant 0 : i32
        %dma_wait3A_283 = tpu.memref_slice %arg6[%dma_wait3A_279, %dma_wait3A_280, %dma_wait3A_281, %dma_wait3A_282] : memref<2x8x50x64xf32, #tpu.memory_space<vmem>> -> memref<1x1x50x64xf32, #tpu.memory_space<vmem>>
        %dma_wait3A_284 = tpu.memref_squeeze %dma_wait3A_283 : memref<1x1x50x64xf32, #tpu.memory_space<vmem>> -> memref<50x64xf32, #tpu.memory_space<vmem>>
        %dma_wait3A_285 = arith.constant 0 : i32
        %dma_wait3A_286 = tpu.memref_slice %arg5[%dma_wait3A_277, %dma_wait3A_278, %dma_wait3A_285] : memref<2x8x50xi32, #tpu.memory_space<vmem>> -> memref<1x1x50xi32, #tpu.memory_space<vmem>>
        %dma_wait3A_287 = tpu.memref_squeeze %dma_wait3A_286 : memref<1x1x50xi32, #tpu.memory_space<vmem>> -> memref<50xi32, #tpu.memory_space<vmem>>
        %dma_wait3A_288 = arith.constant 0 : i32
        %dma_wait3A_289 = arith.constant 0 : i32
        %dma_wait3A_290 = tpu.memref_slice %arg3[%dma_wait3A_288, %dma_wait3A_289] : memref<1000000x64xf32, #tpu.memory_space<hbm>> -> memref<1000000x64xf32, #tpu.memory_space<hbm>>
        tpu.wait_indirect_dma semaphore(%arg10 : memref<!tpu.dma_semaphore, #tpu.memory_space<semaphore_mem>>) src(%dma_wait3A_290 : memref<1000000x64xf32, #tpu.memory_space<hbm>>) dst(%dma_wait3A_284 : memref<50x64xf32, #tpu.memory_space<vmem>>)
        %dma_wait3A_291 = arith.constant 1 : i32
        %dma_wait3A_292 = arith.constant 7 : i32
        %dma_wait3A_293 = arith.constant 1 : i32
        %dma_wait3A_294 = arith.constant 7 : i32
        %dma_wait3A_295 = arith.constant 0 : i32
        %dma_wait3A_296 = arith.constant 0 : i32
        %dma_wait3A_297 = tpu.memref_slice %arg6[%dma_wait3A_293, %dma_wait3A_294, %dma_wait3A_295, %dma_wait3A_296] : memref<2x8x50x64xf32, #tpu.memory_space<vmem>> -> memref<1x1x50x64xf32, #tpu.memory_space<vmem>>
        %dma_wait3A_298 = tpu.memref_squeeze %dma_wait3A_297 : memref<1x1x50x64xf32, #tpu.memory_space<vmem>> -> memref<50x64xf32, #tpu.memory_space<vmem>>
        %dma_wait3A_299 = arith.constant 0 : i32
        %dma_wait3A_300 = tpu.memref_slice %arg5[%dma_wait3A_291, %dma_wait3A_292, %dma_wait3A_299] : memref<2x8x50xi32, #tpu.memory_space<vmem>> -> memref<1x1x50xi32, #tpu.memory_space<vmem>>
        %dma_wait3A_301 = tpu.memref_squeeze %dma_wait3A_300 : memref<1x1x50xi32, #tpu.memory_space<vmem>> -> memref<50xi32, #tpu.memory_space<vmem>>
        %dma_wait3A_302 = arith.constant 0 : i32
        %dma_wait3A_303 = arith.constant 0 : i32
        %dma_wait3A_304 = tpu.memref_slice %arg3[%dma_wait3A_302, %dma_wait3A_303] : memref<1000000x64xf32, #tpu.memory_space<hbm>> -> memref<1000000x64xf32, #tpu.memory_space<hbm>>
        tpu.wait_indirect_dma semaphore(%arg10 : memref<!tpu.dma_semaphore, #tpu.memory_space<semaphore_mem>>) src(%dma_wait3A_304 : memref<1000000x64xf32, #tpu.memory_space<hbm>>) dst(%dma_wait3A_298 : memref<50x64xf32, #tpu.memory_space<vmem>>)
        %add3A_305 = arith.constant 1 : i32
        %add3A_306 = arith.addi %scan3A_179, %add3A_305 : i32
        %lt3A = arith.constant 64 : i32
        %lt3A_307 = arith.cmpi slt, %add3A_306, %lt3A : i32
        %convert_element_type3A_308 = arith.extui %lt3A_307 : i1 to i32
        %cond3A_309 = arith.constant 0 : i32
        %cond3A_310 = arith.cmpi ne, %convert_element_type3A_308, %cond3A_309 : i32
        scf.if %cond3A_310 {
          %dma_wait3A_338 = arith.constant 0 : i32
          %dma_wait3A_339 = arith.constant 0 : i32
          %dma_wait3A_340 = arith.constant 0 : i32
          %dma_wait3A_341 = tpu.memref_slice %arg5[%dma_wait3A_338, %dma_wait3A_339, %dma_wait3A_340] : memref<2x8x50xi32, #tpu.memory_space<vmem>> -> memref<1x8x50xi32, #tpu.memory_space<vmem>>
          %dma_wait3A_342 = tpu.memref_squeeze %dma_wait3A_341 : memref<1x8x50xi32, #tpu.memory_space<vmem>> -> memref<8x50xi32, #tpu.memory_space<vmem>>
          %dma_wait3A_343 = arith.constant 0 : i32
          %dma_wait3A_344 = tpu.memref_slice %arg2[%mul3A_2, %dma_wait3A_343] : memref<16384x50xi32, #tpu.memory_space<hbm>> -> memref<8x50xi32, #tpu.memory_space<hbm>>
          %dma_wait3A_345 = arith.constant 0 : i32
          %dma_wait3A_346 = arith.constant 0 : i32
          %dma_wait3A_347 = tpu.memref_slice %arg5[%dma_wait3A_338, %dma_wait3A_345, %dma_wait3A_346] : memref<2x8x50xi32, #tpu.memory_space<vmem>> -> memref<1x8x50xi32, #tpu.memory_space<vmem>>
          %dma_wait3A_348 = tpu.memref_squeeze %dma_wait3A_347 : memref<1x8x50xi32, #tpu.memory_space<vmem>> -> memref<8x50xi32, #tpu.memory_space<vmem>>
          %dma_wait3A_349 = arith.constant 0 : i32
          %dma_wait3A_350 = tpu.memref_slice %arg2[%mul3A_2, %dma_wait3A_349] : memref<16384x50xi32, #tpu.memory_space<hbm>> -> memref<8x50xi32, #tpu.memory_space<hbm>>
          tpu.wait_dma2 semaphore(%arg7 : memref<!tpu.dma_semaphore, #tpu.memory_space<semaphore_mem>>) src(%dma_wait3A_350 : memref<8x50xi32, #tpu.memory_space<hbm>>) dst(%dma_wait3A_348 : memref<8x50xi32, #tpu.memory_space<vmem>>)
          %dma_start3A_351 = arith.constant 0 : i32
          %dma_start3A_352 = arith.constant 0 : i32
          %dma_start3A_353 = arith.constant 0 : i32
          %dma_start3A_354 = arith.constant 0 : i32
          %dma_start3A_355 = arith.constant 0 : i32
          %dma_start3A_356 = arith.constant 0 : i32
          %dma_start3A_357 = tpu.memref_slice %arg6[%dma_start3A_353, %dma_start3A_354, %dma_start3A_355, %dma_start3A_356] : memref<2x8x50x64xf32, #tpu.memory_space<vmem>> -> memref<1x1x50x64xf32, #tpu.memory_space<vmem>>
          %dma_start3A_358 = tpu.memref_squeeze %dma_start3A_357 : memref<1x1x50x64xf32, #tpu.memory_space<vmem>> -> memref<50x64xf32, #tpu.memory_space<vmem>>
          %dma_start3A_359 = arith.constant 0 : i32
          %dma_start3A_360 = tpu.memref_slice %arg5[%dma_start3A_351, %dma_start3A_352, %dma_start3A_359] : memref<2x8x50xi32, #tpu.memory_space<vmem>> -> memref<1x1x50xi32, #tpu.memory_space<vmem>>
          %dma_start3A_361 = tpu.memref_squeeze %dma_start3A_360 : memref<1x1x50xi32, #tpu.memory_space<vmem>> -> memref<50xi32, #tpu.memory_space<vmem>>
          %dma_start3A_362 = arith.constant 0 : i32
          %dma_start3A_363 = arith.constant 0 : i32
          %dma_start3A_364 = tpu.memref_slice %arg3[%dma_start3A_362, %dma_start3A_363] : memref<1000000x64xf32, #tpu.memory_space<hbm>> -> memref<1000000x64xf32, #tpu.memory_space<hbm>>
          tpu.enqueue_indirect_dma source(%dma_start3A_364 : memref<1000000x64xf32, #tpu.memory_space<hbm>>) target(%dma_start3A_358 : memref<50x64xf32, #tpu.memory_space<vmem>>) offsets(%dma_start3A_361 : memref<50xi32, #tpu.memory_space<vmem>>) semaphore(%arg9 : memref<!tpu.dma_semaphore, #tpu.memory_space<semaphore_mem>>)
          %dma_start3A_365 = arith.constant 0 : i32
          %dma_start3A_366 = arith.constant 1 : i32
          %dma_start3A_367 = arith.constant 0 : i32
          %dma_start3A_368 = arith.constant 1 : i32
          %dma_start3A_369 = arith.constant 0 : i32
          %dma_start3A_370 = arith.constant 0 : i32
          %dma_start3A_371 = tpu.memref_slice %arg6[%dma_start3A_367, %dma_start3A_368, %dma_start3A_369, %dma_start3A_370] : memref<2x8x50x64xf32, #tpu.memory_space<vmem>> -> memref<1x1x50x64xf32, #tpu.memory_space<vmem>>
          %dma_start3A_372 = tpu.memref_squeeze %dma_start3A_371 : memref<1x1x50x64xf32, #tpu.memory_space<vmem>> -> memref<50x64xf32, #tpu.memory_space<vmem>>
          %dma_start3A_373 = arith.constant 0 : i32
          %dma_start3A_374 = tpu.memref_slice %arg5[%dma_start3A_365, %dma_start3A_366, %dma_start3A_373] : memref<2x8x50xi32, #tpu.memory_space<vmem>> -> memref<1x1x50xi32, #tpu.memory_space<vmem>>
          %dma_start3A_375 = tpu.memref_squeeze %dma_start3A_374 : memref<1x1x50xi32, #tpu.memory_space<vmem>> -> memref<50xi32, #tpu.memory_space<vmem>>
          %dma_start3A_376 = arith.constant 0 : i32
          %dma_start3A_377 = arith.constant 0 : i32
          %dma_start3A_378 = tpu.memref_slice %arg3[%dma_start3A_376, %dma_start3A_377] : memref<1000000x64xf32, #tpu.memory_space<hbm>> -> memref<1000000x64xf32, #tpu.memory_space<hbm>>
          tpu.enqueue_indirect_dma source(%dma_start3A_378 : memref<1000000x64xf32, #tpu.memory_space<hbm>>) target(%dma_start3A_372 : memref<50x64xf32, #tpu.memory_space<vmem>>) offsets(%dma_start3A_375 : memref<50xi32, #tpu.memory_space<vmem>>) semaphore(%arg9 : memref<!tpu.dma_semaphore, #tpu.memory_space<semaphore_mem>>)
          %dma_start3A_379 = arith.constant 0 : i32
          %dma_start3A_380 = arith.constant 2 : i32
          %dma_start3A_381 = arith.constant 0 : i32
          %dma_start3A_382 = arith.constant 2 : i32
          %dma_start3A_383 = arith.constant 0 : i32
          %dma_start3A_384 = arith.constant 0 : i32
          %dma_start3A_385 = tpu.memref_slice %arg6[%dma_start3A_381, %dma_start3A_382, %dma_start3A_383, %dma_start3A_384] : memref<2x8x50x64xf32, #tpu.memory_space<vmem>> -> memref<1x1x50x64xf32, #tpu.memory_space<vmem>>
          %dma_start3A_386 = tpu.memref_squeeze %dma_start3A_385 : memref<1x1x50x64xf32, #tpu.memory_space<vmem>> -> memref<50x64xf32, #tpu.memory_space<vmem>>
          %dma_start3A_387 = arith.constant 0 : i32
          %dma_start3A_388 = tpu.memref_slice %arg5[%dma_start3A_379, %dma_start3A_380, %dma_start3A_387] : memref<2x8x50xi32, #tpu.memory_space<vmem>> -> memref<1x1x50xi32, #tpu.memory_space<vmem>>
          %dma_start3A_389 = tpu.memref_squeeze %dma_start3A_388 : memref<1x1x50xi32, #tpu.memory_space<vmem>> -> memref<50xi32, #tpu.memory_space<vmem>>
          %dma_start3A_390 = arith.constant 0 : i32
          %dma_start3A_391 = arith.constant 0 : i32
          %dma_start3A_392 = tpu.memref_slice %arg3[%dma_start3A_390, %dma_start3A_391] : memref<1000000x64xf32, #tpu.memory_space<hbm>> -> memref<1000000x64xf32, #tpu.memory_space<hbm>>
          tpu.enqueue_indirect_dma source(%dma_start3A_392 : memref<1000000x64xf32, #tpu.memory_space<hbm>>) target(%dma_start3A_386 : memref<50x64xf32, #tpu.memory_space<vmem>>) offsets(%dma_start3A_389 : memref<50xi32, #tpu.memory_space<vmem>>) semaphore(%arg9 : memref<!tpu.dma_semaphore, #tpu.memory_space<semaphore_mem>>)
          %dma_start3A_393 = arith.constant 0 : i32
          %dma_start3A_394 = arith.constant 3 : i32
          %dma_start3A_395 = arith.constant 0 : i32
          %dma_start3A_396 = arith.constant 3 : i32
          %dma_start3A_397 = arith.constant 0 : i32
          %dma_start3A_398 = arith.constant 0 : i32
          %dma_start3A_399 = tpu.memref_slice %arg6[%dma_start3A_395, %dma_start3A_396, %dma_start3A_397, %dma_start3A_398] : memref<2x8x50x64xf32, #tpu.memory_space<vmem>> -> memref<1x1x50x64xf32, #tpu.memory_space<vmem>>
          %dma_start3A_400 = tpu.memref_squeeze %dma_start3A_399 : memref<1x1x50x64xf32, #tpu.memory_space<vmem>> -> memref<50x64xf32, #tpu.memory_space<vmem>>
          %dma_start3A_401 = arith.constant 0 : i32
          %dma_start3A_402 = tpu.memref_slice %arg5[%dma_start3A_393, %dma_start3A_394, %dma_start3A_401] : memref<2x8x50xi32, #tpu.memory_space<vmem>> -> memref<1x1x50xi32, #tpu.memory_space<vmem>>
          %dma_start3A_403 = tpu.memref_squeeze %dma_start3A_402 : memref<1x1x50xi32, #tpu.memory_space<vmem>> -> memref<50xi32, #tpu.memory_space<vmem>>
          %dma_start3A_404 = arith.constant 0 : i32
          %dma_start3A_405 = arith.constant 0 : i32
          %dma_start3A_406 = tpu.memref_slice %arg3[%dma_start3A_404, %dma_start3A_405] : memref<1000000x64xf32, #tpu.memory_space<hbm>> -> memref<1000000x64xf32, #tpu.memory_space<hbm>>
          tpu.enqueue_indirect_dma source(%dma_start3A_406 : memref<1000000x64xf32, #tpu.memory_space<hbm>>) target(%dma_start3A_400 : memref<50x64xf32, #tpu.memory_space<vmem>>) offsets(%dma_start3A_403 : memref<50xi32, #tpu.memory_space<vmem>>) semaphore(%arg9 : memref<!tpu.dma_semaphore, #tpu.memory_space<semaphore_mem>>)
          %dma_start3A_407 = arith.constant 0 : i32
          %dma_start3A_408 = arith.constant 4 : i32
          %dma_start3A_409 = arith.constant 0 : i32
          %dma_start3A_410 = arith.constant 4 : i32
          %dma_start3A_411 = arith.constant 0 : i32
          %dma_start3A_412 = arith.constant 0 : i32
          %dma_start3A_413 = tpu.memref_slice %arg6[%dma_start3A_409, %dma_start3A_410, %dma_start3A_411, %dma_start3A_412] : memref<2x8x50x64xf32, #tpu.memory_space<vmem>> -> memref<1x1x50x64xf32, #tpu.memory_space<vmem>>
          %dma_start3A_414 = tpu.memref_squeeze %dma_start3A_413 : memref<1x1x50x64xf32, #tpu.memory_space<vmem>> -> memref<50x64xf32, #tpu.memory_space<vmem>>
          %dma_start3A_415 = arith.constant 0 : i32
          %dma_start3A_416 = tpu.memref_slice %arg5[%dma_start3A_407, %dma_start3A_408, %dma_start3A_415] : memref<2x8x50xi32, #tpu.memory_space<vmem>> -> memref<1x1x50xi32, #tpu.memory_space<vmem>>
          %dma_start3A_417 = tpu.memref_squeeze %dma_start3A_416 : memref<1x1x50xi32, #tpu.memory_space<vmem>> -> memref<50xi32, #tpu.memory_space<vmem>>
          %dma_start3A_418 = arith.constant 0 : i32
          %dma_start3A_419 = arith.constant 0 : i32
          %dma_start3A_420 = tpu.memref_slice %arg3[%dma_start3A_418, %dma_start3A_419] : memref<1000000x64xf32, #tpu.memory_space<hbm>> -> memref<1000000x64xf32, #tpu.memory_space<hbm>>
          tpu.enqueue_indirect_dma source(%dma_start3A_420 : memref<1000000x64xf32, #tpu.memory_space<hbm>>) target(%dma_start3A_414 : memref<50x64xf32, #tpu.memory_space<vmem>>) offsets(%dma_start3A_417 : memref<50xi32, #tpu.memory_space<vmem>>) semaphore(%arg9 : memref<!tpu.dma_semaphore, #tpu.memory_space<semaphore_mem>>)
          %dma_start3A_421 = arith.constant 0 : i32
          %dma_start3A_422 = arith.constant 5 : i32
          %dma_start3A_423 = arith.constant 0 : i32
          %dma_start3A_424 = arith.constant 5 : i32
          %dma_start3A_425 = arith.constant 0 : i32
          %dma_start3A_426 = arith.constant 0 : i32
          %dma_start3A_427 = tpu.memref_slice %arg6[%dma_start3A_423, %dma_start3A_424, %dma_start3A_425, %dma_start3A_426] : memref<2x8x50x64xf32, #tpu.memory_space<vmem>> -> memref<1x1x50x64xf32, #tpu.memory_space<vmem>>
          %dma_start3A_428 = tpu.memref_squeeze %dma_start3A_427 : memref<1x1x50x64xf32, #tpu.memory_space<vmem>> -> memref<50x64xf32, #tpu.memory_space<vmem>>
          %dma_start3A_429 = arith.constant 0 : i32
          %dma_start3A_430 = tpu.memref_slice %arg5[%dma_start3A_421, %dma_start3A_422, %dma_start3A_429] : memref<2x8x50xi32, #tpu.memory_space<vmem>> -> memref<1x1x50xi32, #tpu.memory_space<vmem>>
          %dma_start3A_431 = tpu.memref_squeeze %dma_start3A_430 : memref<1x1x50xi32, #tpu.memory_space<vmem>> -> memref<50xi32, #tpu.memory_space<vmem>>
          %dma_start3A_432 = arith.constant 0 : i32
          %dma_start3A_433 = arith.constant 0 : i32
          %dma_start3A_434 = tpu.memref_slice %arg3[%dma_start3A_432, %dma_start3A_433] : memref<1000000x64xf32, #tpu.memory_space<hbm>> -> memref<1000000x64xf32, #tpu.memory_space<hbm>>
          tpu.enqueue_indirect_dma source(%dma_start3A_434 : memref<1000000x64xf32, #tpu.memory_space<hbm>>) target(%dma_start3A_428 : memref<50x64xf32, #tpu.memory_space<vmem>>) offsets(%dma_start3A_431 : memref<50xi32, #tpu.memory_space<vmem>>) semaphore(%arg9 : memref<!tpu.dma_semaphore, #tpu.memory_space<semaphore_mem>>)
          %dma_start3A_435 = arith.constant 0 : i32
          %dma_start3A_436 = arith.constant 6 : i32
          %dma_start3A_437 = arith.constant 0 : i32
          %dma_start3A_438 = arith.constant 6 : i32
          %dma_start3A_439 = arith.constant 0 : i32
          %dma_start3A_440 = arith.constant 0 : i32
          %dma_start3A_441 = tpu.memref_slice %arg6[%dma_start3A_437, %dma_start3A_438, %dma_start3A_439, %dma_start3A_440] : memref<2x8x50x64xf32, #tpu.memory_space<vmem>> -> memref<1x1x50x64xf32, #tpu.memory_space<vmem>>
          %dma_start3A_442 = tpu.memref_squeeze %dma_start3A_441 : memref<1x1x50x64xf32, #tpu.memory_space<vmem>> -> memref<50x64xf32, #tpu.memory_space<vmem>>
          %dma_start3A_443 = arith.constant 0 : i32
          %dma_start3A_444 = tpu.memref_slice %arg5[%dma_start3A_435, %dma_start3A_436, %dma_start3A_443] : memref<2x8x50xi32, #tpu.memory_space<vmem>> -> memref<1x1x50xi32, #tpu.memory_space<vmem>>
          %dma_start3A_445 = tpu.memref_squeeze %dma_start3A_444 : memref<1x1x50xi32, #tpu.memory_space<vmem>> -> memref<50xi32, #tpu.memory_space<vmem>>
          %dma_start3A_446 = arith.constant 0 : i32
          %dma_start3A_447 = arith.constant 0 : i32
          %dma_start3A_448 = tpu.memref_slice %arg3[%dma_start3A_446, %dma_start3A_447] : memref<1000000x64xf32, #tpu.memory_space<hbm>> -> memref<1000000x64xf32, #tpu.memory_space<hbm>>
          tpu.enqueue_indirect_dma source(%dma_start3A_448 : memref<1000000x64xf32, #tpu.memory_space<hbm>>) target(%dma_start3A_442 : memref<50x64xf32, #tpu.memory_space<vmem>>) offsets(%dma_start3A_445 : memref<50xi32, #tpu.memory_space<vmem>>) semaphore(%arg9 : memref<!tpu.dma_semaphore, #tpu.memory_space<semaphore_mem>>)
          %dma_start3A_449 = arith.constant 0 : i32
          %dma_start3A_450 = arith.constant 7 : i32
          %dma_start3A_451 = arith.constant 0 : i32
          %dma_start3A_452 = arith.constant 7 : i32
          %dma_start3A_453 = arith.constant 0 : i32
          %dma_start3A_454 = arith.constant 0 : i32
          %dma_start3A_455 = tpu.memref_slice %arg6[%dma_start3A_451, %dma_start3A_452, %dma_start3A_453, %dma_start3A_454] : memref<2x8x50x64xf32, #tpu.memory_space<vmem>> -> memref<1x1x50x64xf32, #tpu.memory_space<vmem>>
          %dma_start3A_456 = tpu.memref_squeeze %dma_start3A_455 : memref<1x1x50x64xf32, #tpu.memory_space<vmem>> -> memref<50x64xf32, #tpu.memory_space<vmem>>
          %dma_start3A_457 = arith.constant 0 : i32
          %dma_start3A_458 = tpu.memref_slice %arg5[%dma_start3A_449, %dma_start3A_450, %dma_start3A_457] : memref<2x8x50xi32, #tpu.memory_space<vmem>> -> memref<1x1x50xi32, #tpu.memory_space<vmem>>
          %dma_start3A_459 = tpu.memref_squeeze %dma_start3A_458 : memref<1x1x50xi32, #tpu.memory_space<vmem>> -> memref<50xi32, #tpu.memory_space<vmem>>
          %dma_start3A_460 = arith.constant 0 : i32
          %dma_start3A_461 = arith.constant 0 : i32
          %dma_start3A_462 = tpu.memref_slice %arg3[%dma_start3A_460, %dma_start3A_461] : memref<1000000x64xf32, #tpu.memory_space<hbm>> -> memref<1000000x64xf32, #tpu.memory_space<hbm>>
          tpu.enqueue_indirect_dma source(%dma_start3A_462 : memref<1000000x64xf32, #tpu.memory_space<hbm>>) target(%dma_start3A_456 : memref<50x64xf32, #tpu.memory_space<vmem>>) offsets(%dma_start3A_459 : memref<50xi32, #tpu.memory_space<vmem>>) semaphore(%arg9 : memref<!tpu.dma_semaphore, #tpu.memory_space<semaphore_mem>>)
        } else {
        }
        %add3A_311 = arith.constant 2 : i32
        %add3A_312 = arith.addi %scan3A_179, %add3A_311 : i32
        %lt3A_313 = arith.constant 64 : i32
        %lt3A_314 = arith.cmpi slt, %add3A_312, %lt3A_313 : i32
        %convert_element_type3A_315 = arith.extui %lt3A_314 : i1 to i32
        %cond3A_316 = arith.constant 0 : i32
        %cond3A_317 = arith.cmpi ne, %convert_element_type3A_315, %cond3A_316 : i32
        scf.if %cond3A_317 {
          %add3A_338 = arith.constant 2 : i32
          %add3A_339 = arith.addi %scan3A_179, %add3A_338 : i32
          %mul3A_340 = arith.constant 8 : i32
          %mul3A_341 = arith.muli %add3A_339, %mul3A_340 : i32
          %add3A_342 = arith.addi %mul3A_2, %mul3A_341 : i32
          %dma_start3A_343 = arith.constant 1 : i32
          %dma_start3A_344 = arith.constant 0 : i32
          %dma_start3A_345 = arith.constant 0 : i32
          %dma_start3A_346 = tpu.memref_slice %arg5[%dma_start3A_343, %dma_start3A_344, %dma_start3A_345] : memref<2x8x50xi32, #tpu.memory_space<vmem>> -> memref<1x8x50xi32, #tpu.memory_space<vmem>>
          %dma_start3A_347 = tpu.memref_squeeze %dma_start3A_346 : memref<1x8x50xi32, #tpu.memory_space<vmem>> -> memref<8x50xi32, #tpu.memory_space<vmem>>
          %dma_start3A_348 = arith.constant 0 : i32
          %dma_start3A_349 = tpu.memref_slice %arg2[%add3A_342, %dma_start3A_348] : memref<16384x50xi32, #tpu.memory_space<hbm>> -> memref<8x50xi32, #tpu.memory_space<hbm>>
          %dma_start3A_350 = arith.constant 0 : i32
          %dma_start3A_351 = arith.constant 0 : i32
          %dma_start3A_352 = tpu.memref_slice %arg5[%dma_start3A_343, %dma_start3A_350, %dma_start3A_351] : memref<2x8x50xi32, #tpu.memory_space<vmem>> -> memref<1x8x50xi32, #tpu.memory_space<vmem>>
          %dma_start3A_353 = tpu.memref_squeeze %dma_start3A_352 : memref<1x8x50xi32, #tpu.memory_space<vmem>> -> memref<8x50xi32, #tpu.memory_space<vmem>>
          %dma_start3A_354 = arith.constant 0 : i32
          %dma_start3A_355 = tpu.memref_slice %arg2[%add3A_342, %dma_start3A_354] : memref<16384x50xi32, #tpu.memory_space<hbm>> -> memref<8x50xi32, #tpu.memory_space<hbm>>
          tpu.enqueue_dma source(%dma_start3A_355 : memref<8x50xi32, #tpu.memory_space<hbm>>) target(%dma_start3A_353 : memref<8x50xi32, #tpu.memory_space<vmem>>) target_semaphore(%arg8 : memref<!tpu.dma_semaphore, #tpu.memory_space<semaphore_mem>>)
        } else {
        }
        %mul3A_318 = arith.constant 8 : i32
        %mul3A_319 = arith.muli %scan3A_179, %mul3A_318 : i32
        %add3A_320 = arith.addi %mul3A_2, %mul3A_319 : i32
        %dma_start3A_321 = arith.constant 1 : i32
        %dma_start3A_322 = arith.constant 0 : i32
        %dma_start3A_323 = arith.constant 0 : i32
        %dma_start3A_324 = arith.constant 0 : i32
        %dma_start3A_325 = tpu.memref_slice %arg6[%dma_start3A_321, %dma_start3A_322, %dma_start3A_323, %dma_start3A_324] : memref<2x8x50x64xf32, #tpu.memory_space<vmem>> -> memref<1x8x50x64xf32, #tpu.memory_space<vmem>>
        %dma_start3A_326 = tpu.memref_squeeze %dma_start3A_325 : memref<1x8x50x64xf32, #tpu.memory_space<vmem>> -> memref<8x50x64xf32, #tpu.memory_space<vmem>>
        %dma_start3A_327 = arith.constant 0 : i32
        %dma_start3A_328 = arith.constant 0 : i32
        %dma_start3A_329 = tpu.memref_slice %arg4[%add3A_320, %dma_start3A_327, %dma_start3A_328] : memref<16384x56x128xf32, #tpu.memory_space<hbm>> -> memref<8x50x64xf32, #tpu.memory_space<hbm>>
        %dma_start3A_330 = arith.constant 0 : i32
        %dma_start3A_331 = arith.constant 0 : i32
        %dma_start3A_332 = tpu.memref_slice %arg4[%add3A_320, %dma_start3A_330, %dma_start3A_331] : memref<16384x56x128xf32, #tpu.memory_space<hbm>> -> memref<8x50x64xf32, #tpu.memory_space<hbm>>
        %dma_start3A_333 = arith.constant 0 : i32
        %dma_start3A_334 = arith.constant 0 : i32
        %dma_start3A_335 = arith.constant 0 : i32
        %dma_start3A_336 = tpu.memref_slice %arg6[%dma_start3A_321, %dma_start3A_333, %dma_start3A_334, %dma_start3A_335] : memref<2x8x50x64xf32, #tpu.memory_space<vmem>> -> memref<1x8x50x64xf32, #tpu.memory_space<vmem>>
        %dma_start3A_337 = tpu.memref_squeeze %dma_start3A_336 : memref<1x8x50x64xf32, #tpu.memory_space<vmem>> -> memref<8x50x64xf32, #tpu.memory_space<vmem>>
        tpu.enqueue_dma source(%dma_start3A_337 : memref<8x50x64xf32, #tpu.memory_space<vmem>>) target(%dma_start3A_332 : memref<8x50x64xf32, #tpu.memory_space<hbm>>) target_semaphore(%arg11 : memref<!tpu.dma_semaphore, #tpu.memory_space<semaphore_mem>>)
      } else {
      }
      %scan3A_188 = arith.constant 0 : i32
      scf.yield %scan3A_188 : i32
    }
    %scan3A_161 = arith.constant 64 : i32
    %dma_wait3A_162 = arith.constant 1 : i32
    %dma_wait3A_163 = arith.constant 0 : i32
    %dma_wait3A_164 = arith.constant 0 : i32
    %dma_wait3A_165 = arith.constant 0 : i32
    %dma_wait3A_166 = tpu.memref_slice %arg6[%dma_wait3A_162, %dma_wait3A_163, %dma_wait3A_164, %dma_wait3A_165] : memref<2x8x50x64xf32, #tpu.memory_space<vmem>> -> memref<1x8x50x64xf32, #tpu.memory_space<vmem>>
    %dma_wait3A_167 = tpu.memref_squeeze %dma_wait3A_166 : memref<1x8x50x64xf32, #tpu.memory_space<vmem>> -> memref<8x50x64xf32, #tpu.memory_space<vmem>>
    %dma_wait3A_168 = arith.constant 0 : i32
    %dma_wait3A_169 = arith.constant 0 : i32
    %dma_wait3A_170 = tpu.memref_slice %arg4[%mul3A_2, %dma_wait3A_168, %dma_wait3A_169] : memref<16384x56x128xf32, #tpu.memory_space<hbm>> -> memref<8x50x64xf32, #tpu.memory_space<hbm>>
    %dma_wait3A_171 = arith.constant 0 : i32
    %dma_wait3A_172 = arith.constant 0 : i32
    %dma_wait3A_173 = tpu.memref_slice %arg4[%mul3A_2, %dma_wait3A_171, %dma_wait3A_172] : memref<16384x56x128xf32, #tpu.memory_space<hbm>> -> memref<8x50x64xf32, #tpu.memory_space<hbm>>
    %dma_wait3A_174 = arith.constant 0 : i32
    %dma_wait3A_175 = arith.constant 0 : i32
    %dma_wait3A_176 = arith.constant 0 : i32
    %dma_wait3A_177 = tpu.memref_slice %arg6[%dma_wait3A_162, %dma_wait3A_174, %dma_wait3A_175, %dma_wait3A_176] : memref<2x8x50x64xf32, #tpu.memory_space<vmem>> -> memref<1x8x50x64xf32, #tpu.memory_space<vmem>>
    %dma_wait3A_178 = tpu.memref_squeeze %dma_wait3A_177 : memref<1x8x50x64xf32, #tpu.memory_space<vmem>> -> memref<8x50x64xf32, #tpu.memory_space<vmem>>
    tpu.wait_dma2 semaphore(%arg11 : memref<!tpu.dma_semaphore, #tpu.memory_space<semaphore_mem>>) src(%dma_wait3A_178 : memref<8x50x64xf32, #tpu.memory_space<vmem>>) dst(%dma_wait3A_173 : memref<8x50x64xf32, #tpu.memory_space<hbm>>)
    return
  }
}

</mosaic_0001>

<sc_bundles>
// kernel: kernel.3.cloned.1.call-start
scs
__scs_entry_jumppad:
0x0: {  	(pc) =	sbr.rel $0x88, $3  }
0x1: {  	(tag) =	ssettag $0x0;
	lr =	simm.s32 $0x1  }
0x2: {  	[smem:$0x3F9F] =	sst lr;
	_ =	strace $0xD0000000  }
0x3: {  	_ = 	snop  }
0x4: {  	_ = 	snop  }
0x5: {  	_ = 	snop  }
0x6: {  	_ = 	snop  }
0x7: {  	_ = 	snop  }
__scs_overlays_trampoline_lowered:
0x8: {  	[smem:$0x3FAE] =	sst s0  }
0x9: {  	[smem:$0x3FAF] =	sst s1  }
0xa: {  	[smem:$0x3FB0] =	sst s2  }
0xb: {  	[smem:$0x3FB1] =	sst s3  }
0xc: {  	[smem:$0x3FB2] =	sst s4  }
0xd: {  	[smem:$0x3FB3] =	sst s5  }
0xe: {  	[smem:$0x3FB4] =	sst s6  }
0xf: {  	[smem:$0x3FB5] =	sst s7  }
0x10: {  	[smem:$0x3FB6] =	sst s8  }
0x11: {  	[smem:$0x3FB7] =	sst s9;
	s0 =	simm.s32 @!p0 $0x0  }
0x12: {  	s1 =	sld [smem:$0x3F9D];
	s0 =	simm.s32 @p0 $0x1  }
0x13: {  	[smem:$0x3FB8] =	sst s0;
	s0 =	simm.s32 @!p1 $0x0  }
0x14: {  	s2 =	sld [smem:$0x3F9C];
	s0 =	simm.s32 @p1 $0x1  }
0x15: {  	[smem:$0x3FB9] =	sst s0;
	s0 =	simm.s32 @!p2 $0x0  }
0x16: {  	s3 =	sld [smem:$0x3FDB];
	s0 =	simm.s32 @p2 $0x1  }
0x17: {  	s4 =	simm.s32 $0x1BF5;
	[smem:$0x3FBB] =	sst s0  }
0x18: {  	s0 =	sld [smem:$0x3F9E];
	_ =	swait.ge [sflag:s4], $0x0  }
0x19: {  	s7 =	sld [smem:$0x3F9F]  }
0x1a: {  	s8 =	sadd.s32 $0xFFFFE003, lr  }
0x1b: {  	s9 =	sadd.s32 $0xFFFFFEF7, lr;
	s5 =	simm.s32 $0xFFFFFFFF;
	p2 =	slt.u32 s8, $0xFFFFF086  }
0x1c: {  	p1 =	slt.u32 s9, $0xF7A;
	s5 =	simm.s32 @!p2 $0x0  }
0x1d: {  	s5 =	simm.s32 @p1 $0x1;
	p0 =	seq.s32 s7, s2  }
0x1e: {  	s7 =	smul.u32 @!p0 $0xF7A, s2;
	p2 =	seq.s32 @!p0 s5, $0x0  }
0x1f: {  	s9 =	smul.u32 $0xF7A, s1;
	s8 =	simm.s32 @!p0 $0x1BF5;
	p2 =	por !p2, p0  }
0x20: {  	[sflag:s8] =	ssyncset.s32 @!p0 $0xFFFFF086;
	s6 =	sadd.s32 @!p0 s3, s7;
	s7 =	simm.s32 @!p0 $0x108  }
0x21: {  	s3 =	sadd.s32 s3, s9;
	s6 =	sadd.s32 @!p0 $0x88, s6;
	s7 =	simm.s32 @p2 $0x1082  }
0x22: {  	[simem:s7], [sflag:s8] =	dma.local @!p0 [hbm:s6], $0xF7A  }
0x23: {  	s9 =	sor.u32 $0xD0000000, s2;
	s6 =	simm.s32 $0x108;
	_ =	swait.ge @!p0 [sflag:s8], $0x0  }
0x24: {  	s3 =	sadd.s32 $0x88, s3;
	s6 =	simm.s32 @!p1 $0x1082;
	[sflag:s4] =	ssyncset.s32 $0xFFFFF086  }
0x25: {  	[simem:s6], [sflag:s4] =	dma.local [hbm:s3], $0xF7A  }
0x26: {  	[smem:$0x3F9F] =	sst s1;
	(tag) =	ssettag s2;
	_ =	strace s9  }
0x27: {  	s1 =	sld [smem:$0x3FAF]  }
0x28: {  	s2 =	sld [smem:$0x3FB0]  }
0x29: {  	s4 =	sld [smem:$0x3FB2]  }
0x2a: {  	p0 =	seq.s32 s5, $0x0;
	s5 =	sld [smem:$0x3FB3]  }
0x2b: {  	s6 =	sld [smem:$0x3FB4]  }
0x2c: {  	s7 =	sld [smem:$0x3FB5]  }
0x2d: {  	s3 =	simm.s32 $0x108;
	s8 =	sld [smem:$0x3FB6]  }
0x2e: {  	s3 =	simm.s32 @!p0 $0x1082;
	s9 =	sld [smem:$0x3FB7]  }
0x2f: {  	lr =	sadd.s32 s0, s3;
	s0 =	sld [smem:$0x3FAE]  }
0x30: {  	s3 =	sld [smem:$0x3FB1]  }
0x31: {  	[smem:$0x3FBA] =	sst s10  }
0x32: {  	s10 =	sld [smem:$0x3FB8];
	_ =	sdelay $0x3  }
0x33: {  	p0 =	seq.s32 s10, $0x1;
	s10 =	sld [smem:$0x3FBA];
	_ =	sdelay $0x3  }
0x34: {  	[smem:$0x3FBA] =	sst s10  }
0x35: {  	s10 =	sld [smem:$0x3FB9];
	_ =	sdelay $0x3  }
0x36: {  	p1 =	seq.s32 s10, $0x1;
	s10 =	sld [smem:$0x3FBA];
	_ =	sdelay $0x3  }
0x37: {  	[smem:$0x3FBA] =	sst s10  }
0x38: {  	s10 =	sld [smem:$0x3FBB]  }
0x39: {  	_ = 	snop;
	(pc) =	sbr.ind lr, $3  }
0x3a: {  	_ = 	snop  }
0x3b: {  	_ = 	snop  }
0x3c: {  	p2 =	seq.s32 s10, $0x1;
	s10 =	sld [smem:$0x3FBA]  }
0x3d: {  	_ =	shalt  }
0x3e: {  	_ =	shalt  }
0x3f: {  	_ =	shalt  }
0x40: {  	_ =	shalt  }
0x41: {  	_ =	shalt  }
0x42: {  	_ =	shalt  }
0x43: {  	_ =	shalt  }
0x44: {  	_ =	shalt  }
0x45: {  	_ =	shalt  }
0x46: {  	_ =	shalt  }
0x47: {  	_ =	shalt  }
0x48: {  	_ =	shalt  }
0x49: {  	_ =	shalt  }
0x4a: {  	_ =	shalt  }
0x4b: {  	_ =	shalt  }
0x4c: {  	_ =	shalt  }
0x4d: {  	_ =	shalt  }
0x4e: {  	_ =	shalt  }
0x4f: {  	_ =	shalt  }
0x50: {  	_ =	shalt  }
0x51: {  	_ =	shalt  }
0x52: {  	_ =	shalt  }
0x53: {  	_ =	shalt  }
0x54: {  	_ =	shalt  }
0x55: {  	_ =	shalt  }
0x56: {  	_ =	shalt  }
0x57: {  	_ =	shalt  }
0x58: {  	_ =	shalt  }
0x59: {  	_ =	shalt  }
0x5a: {  	_ =	shalt  }
0x5b: {  	_ =	shalt  }
0x5c: {  	_ =	shalt  }
0x5d: {  	_ =	shalt  }
0x5e: {  	_ =	shalt  }
0x5f: {  	_ =	shalt  }
0x60: {  	_ =	shalt  }
0x61: {  	_ =	shalt  }
0x62: {  	_ =	shalt  }
0x63: {  	_ =	shalt  }
0x64: {  	_ =	shalt  }
0x65: {  	_ =	shalt  }
0x66: {  	_ =	shalt  }
0x67: {  	_ =	shalt  }
0x68: {  	_ =	shalt  }
0x69: {  	_ =	shalt  }
0x6a: {  	_ =	shalt  }
0x6b: {  	_ =	shalt  }
0x6c: {  	_ =	shalt  }
0x6d: {  	_ =	shalt  }
0x6e: {  	_ =	shalt  }
0x6f: {  	_ =	shalt  }
0x70: {  	_ =	shalt  }
0x71: {  	_ =	shalt  }
0x72: {  	_ =	shalt  }
0x73: {  	_ =	shalt  }
0x74: {  	_ =	shalt  }
0x75: {  	_ =	shalt  }
0x76: {  	_ =	shalt  }
0x77: {  	_ =	shalt  }
0x78: {  	_ =	shalt  }
0x79: {  	_ =	shalt  }
0x7a: {  	_ =	shalt  }
0x7b: {  	_ =	shalt  }
0x7c: {  	_ =	shalt  }
0x7d: {  	_ =	shalt  }
0x7e: {  	_ =	shalt  }
0x7f: {  	_ =	shalt  }
0x80: {  	_ =	shalt  }
0x81: {  	_ =	shalt  }
0x82: {  	_ =	shalt  }
0x83: {  	_ =	shalt  }
0x84: {  	_ =	shalt  }
0x85: {  	_ =	shalt  }
0x86: {  	_ =	shalt  }
0x87: {  	_ =	shalt  }
.Lfunc_end0:
.L_simem_size_0:
called_computation.1_lowered:
.L_overlay_start_0:
0x88: {  	s2 =	sld [smem:$0x3FD9]  }
0x89: {  	s3 =	sld [smem:$0x3FFE];
	_ =	sdelay $0x1  }
0x8a: {  	s1 =	srdreg.scid  }
0x8b: {  	s0 =	sand.u32 $0x1, s1  }
0x8c: {  	s17 =	sshll.u32 s0, $0xA;
	s2 =	sadd.s32 s3, s2  }
0x8d: {  	s2 =	sadd.s32 s2, s17  }
0x8e: {  	[smem:$0x3FC6] =	sst s2  }
0x8f: {  	_ = 	snop  }
0x90: {  	s2 =	sld [smem:$0x3FD0];
	(tm) =	ssettm $0x1  }
0x91: {  	s18 =	sld [smem:$0x3FFB];
	_ =	sdelay $0x3  }
0x92: {  	_ =	strace s18  }
0x93: {  	s3 =	sld [smem:$0x3FFC];
	_ =	sdelay $0x3  }
0x94: {  	_ =	strace s3  }
0x95: {  	s3 =	sld [smem:$0x3FFD];
	_ =	sdelay $0x3  }
0x96: {  	_ =	strace s3  }
0x97: {  	_ =	strace $0x8FFFFFFF  }
0x98: {  	s19 =	sld [smem:$0x3FDB];
	_ =	sdelay $0x1  }
0x99: {  	s4 =	simm.s32 $_scs_section_size  }
0x9a: {  	s5 =	simm.s32 $_size__tile_overlayer_lowered;
	s6 =	simm.s32 $_tile_overlayer_lowered  }
0x9b: {  	s22 =	simm.s32 $0x1BFF;
	s21 =	sshll.u32 s6, $0x1;
	s3 =	sadd.s32 s4, s19  }
0x9c: {  	s7 =	simm.s32 $0x0;
	s20 =	sshll.u32 s5, $0x1;
	s5 =	sadd.s32 s21, s3  }
0x9d: {  	[timem:s7], [sflag:s22] =	dma.local [hbm:s5], s20  }
0x9e: {  	_ =	swait.ge [sflag:s22], s20  }
0x9f: {  	s4 =	ssub.s32 $0x0, s20;
	[sflag:s22] =	ssyncset.done $0x0  }
0xa0: {  	[sflag:s22] =	ssyncadd.s32 s4;
	_ =	sdelay $0x1  }
0xa1: {  	s23 =	simm.s32 $0x1B8B  }
0xa2: {  	_ =	swait.ge [sflag:s23], $0x1  }
0xa3: {  	[sflag:s23] =	ssyncset.done $0x0  }
0xa4: {  	s25 =	simm.s32 $0x1B8E;
	s24 =	sld [smem:$0x3FFE];
	[sflag:s23] =	ssyncadd.s32 $0xFFFFFFFF  }
0xa5: {  	s26 =	simm.s32 $execute0_lowered;
	[smem:$0x3FD2] =	sst s25  }
0xa6: {  	s5 =	sshll.u32 s26, $0x1;
	_ =	strace $0x80000046;
	[dreg:$0x1] =	wrdreg $0xFFFFFFFF  }
0xa7: {  	s28 =	simm.s32 $_size_execute0_lowered;
	s3 =	sadd.s32 s3, s5;
	[dreg:$0x0] =	wrdreg $0x0  }
0xa8: {  	s5 =	sshll.u32 s28, $0x1;
	[dreg:$0x2] =	wrdreg s3  }
0xa9: {  	[dreg:$0x3] =	wrdreg s5  }
0xaa: {  	[dreg:$0x4] =	wrdreg $0xC0  }
0xab: {  	_ =	task [dreg:s7], $0x5FFFF  }
0xac: {  	[dreg:$0x1] =	wrdreg $0xFFFFFFFF  }
0xad: {  	[dreg:$0x0] =	wrdreg $0x60  }
0xae: {  	[dreg:$0x2] =	wrdreg s2  }
0xaf: {  	[dreg:$0x3] =	wrdreg s24  }
0xb0: {  	[dreg:$0x4] =	wrdreg $0x9  }
0xb1: {  	_ =	task.clear_ibuf [dreg:s7], $0x5FFFF;
	_ =	strace $0x90000046  }
0xb2: {  	s29 =	simm.s32 $0x9;
	_ =	strace $0x80000048  }
0xb3: {  	_ =	swait.ge [sflag:s29], $0x1  }
0xb4: {  	[sflag:s29] =	ssyncadd.s32 $0xFFFFFFFF  }
0xb5: {  	_ =	strace $0x90000048  }
0xb6: {  	_ =	sfence  }
0xb7: {  	s30 =	sld [smem:$0x0];
	_ =	sdelay $0x2  }
0xb8: {  	s31 =	sshll.u32 s1, $0xD;
	s1 =	sshrl.u32 s1, $0x2  }
0xb9: {  	s3 =	sand.u32 $0x4000, s31;
	s1 =	sadd.s32 s1, s30  }
0xba: {  	s0 =	sor.u32 s3, s0;
	s1 =	sshll.u32 s1, $0x11  }
0xbb: {  	s0 =	sor.u32 s1, s0  }
0xbc: {  	s0 =	sadd.s32 $0x8F2B, s0  }
0xbd: {  	[sflag:s0] =	ssyncadd.remote.s32 $0x1  }
0xbe: {  	_ =	sfence.sel $0xFFFF  }
0xbf: {  	[dreg:$0x0] =	wrdreg $0xFFFFFFFF;
	(pc) =	sbr.abs _section_cstart, $3  }
0xc0: {  	[dreg:$0x1] =	wrdreg $0xFFFFFFFF  }
0xc1: {  	_ =	task.clear_ibuf [dreg:s7], $0x2FFFF;
	_ =	strace $0x9FFFFFFF  }
0xc2: {  	(tm) =	ssettm $0x7FFFFFFF  }
0xc3: {  	_ =	shalt  }
tec
execute0_lowered:
.L_overlay_start_1:
0x0: {  	(tag) =	ssettag $0x1  }
0x1: {  	s0 =	rddreg [dreg:$0x0]  }
0x2: {  	s1 =	rddreg [dreg:$0x1]  }
0x3: {  	s2 =	srdreg.scid;
	s6 =	stileid.u32  }
0x4: {  	s5 =	simm.s32 $0x0;
	s11 =	simm.s32 $0x32;
	s28 =	simm.s32 $0x3  }
0x5: {  	s29 =	simm.s32 $0x2;
	s12 =	simm.s32 $0x8080;
	s13 =	simm.s32 $0x268  }
0x6: {  	s14 =	simm.s32 $0x8D00;
	s15 =	simm.s32 $0x2A0;
	s16 =	simm.s32 $0x9980  }
0x7: {  	s17 =	simm.s32 $0x2D8;
	s18 =	simm.s32 $0xA600;
	s19 =	simm.s32 $0x310  }
0x8: {  	s20 =	simm.s32 $0xB280;
	s21 =	simm.s32 $0x348;
	s22 =	simm.s32 $0xBF00  }
0x9: {  	s23 =	simm.s32 $0x40;
	s2 =	sand.u32 $0x1, s2;
	s24 =	smul.u32 $0xE0000, s6  }
0xa: {  	s3 =	sshll.u32 s6, $0xA;
	[smem:$0x7FF] =	sst s5;
	s6 =	smul.u32 $0x1C00, s6  }
0xb: {  	s4 =	sshll.u32 s2, $0x9;
	_ =	strace $0x80000047;
	s7 =	smul.u32 $0xE00, s2  }
0xc: {  	s25 =	ssub.s32 $0x2, s2;
	s2 =	smul.u32 $0x70000, s2;
	s3 =	sor.u32 s4, s3  }
0xd: {  	s8 =	sshrl.u32 s25, $0x1;
	s4 =	smul.u32 $0x7, s3;
	s3 =	sadd.s32 $0xF42E00, s1  }
0xe: {  	s1 =	sadd.s32 s24, s1;
	s26 =	ssub.s32 s25, s8;
	s24 =	simm.s32 $0x80  }
0xf: {  	s25 =	simm.s32 $0x5;
	s1 =	sadd.s32 s2, s1;
	s9 =	sadd.s32 s0, s4  }
.Ltmp0:
0x10: {  	s4 =	smax.u32 s26, $0x1;
	[dreg:$0x3] =	wrdreg s9;
	(pc) =	sbr.rel .LBB2_1-.Ltmp0, $4  }
0x11: {  	s0 =	sadd.s32 s6, s0;
	s31 =	sadd.s32 $0xA00, s1;
	[dreg:$0x5] =	wrdreg s4  }
0x12: {  	s30 =	sadd.s32 $0x38, s9;
	s0 =	sadd.s32 s7, s0;
	[dreg:$0x7] =	wrdreg s31  }
0x13: {  	s2 =	simm.s32 $0x0;
	[dreg:$0x4] =	wrdreg s30;
	s0 =	sadd.s32 $0x70, s0  }
0x14: {  	s1 =	simm.s32 $0x230;
	s26 =	simm.s32 $0x4;
	[dreg:$0x6] =	wrdreg s0  }
.LBB2_6:
0x15: {  	_ =	swait.ge [sflag:s25], $0x6400  }
0x16: {  	s2 =	rddreg [dreg:$0x8]  }
0x17: {  	s0 =	rddreg [dreg:$0x5];
	s2 =	sadd.s32 $0x1, s2  }
0x18: {  	p0 =	sne.s32 s2, s0  }
.Ltmp1:
0x19: {  	_ = 	snop;
	(pc) =	sbr.rel @!p0 .LBB2_7-.Ltmp1, $3  }
0x1a: {  	_ =	sdelay $0x1  }
0x1b: {  	[sflag:s25] =	ssyncset.done $0x0  }
0x1c: {  	[sflag:s25] =	ssyncadd.s32 $0xFFFF9C00  }
.LBB2_1:
0x1d: {  	[dreg:$0x8] =	wrdreg s2  }
0x1e: {  	s0 =	simm.s32 $0x0;
	s5 =	rddreg [dreg:$0x3]  }
0x1f: {  	[tilespmem:s0], [sflag:$0x1] =	stream.linear.gather [hbm4b:s5+s0], $0x1C0, $0x38;
	[tilespmem:$0xCB80] =	vst v63  }
0x20: {  	s6 =	rddreg [dreg:$0x4];
	s4 =	simm.s32 $0x1C0;
	s7 =	simm.s32 $0x1  }
0x21: {  	[tilespmem:s4], [sflag:$0x2] =	stream.linear.gather [hbm4b:s6+s0], $0x1C0, $0x38;
	[tilespmem:$0xCB80] =	vst v63  }
0x22: {  	_ =	swait.ge [sflag:s7], $0x1C0  }
0x23: {  	[sflag:s7] =	ssyncset.done $0x0  }
0x24: {  	s8 =	simm.s32 $0x380;
	[sflag:s7] =	ssyncadd.s32 $0xFFFFFE40  }
0x25: {  	[tilespmem:s8], [sflag:$0x3] =	stream.indirect.gather [hbm4b:s3+s11], $0x40, s0, s11, $0xb8;
	[tilespmem:$0xCB80] =	vst v63  }
0x26: {  	s9 =	simm.s32 $0x38;
	s10 =	simm.s32 $0x1000  }
0x27: {  	[tilespmem:s10], [sflag:$0x3] =	stream.indirect.gather [hbm4b:s3+s11], $0x40, s9, s11, $0xb8;
	[tilespmem:$0xCB80] =	vst v63  }
0x28: {  	s30 =	simm.s32 $0x70;
	s31 =	simm.s32 $0x1C80  }
0x29: {  	[tilespmem:s31], [sflag:$0x3] =	stream.indirect.gather [hbm4b:s3+s11], $0x40, s30, s11, $0xb8;
	[tilespmem:$0xCB80] =	vst v63  }
0x2a: {  	s2 =	simm.s32 $0xA8;
	s4 =	simm.s32 $0x2900  }
0x2b: {  	[tilespmem:s4], [sflag:$0x3] =	stream.indirect.gather [hbm4b:s3+s11], $0x40, s2, s11, $0xb8;
	[tilespmem:$0xCB80] =	vst v63  }
0x2c: {  	s5 =	simm.s32 $0xE0;
	s6 =	simm.s32 $0x3580  }
0x2d: {  	[tilespmem:s6], [sflag:$0x3] =	stream.indirect.gather [hbm4b:s3+s11], $0x40, s5, s11, $0xb8;
	[tilespmem:$0xCB80] =	vst v63  }
0x2e: {  	s7 =	simm.s32 $0x118;
	s8 =	simm.s32 $0x4200  }
0x2f: {  	[tilespmem:s8], [sflag:$0x3] =	stream.indirect.gather [hbm4b:s3+s11], $0x40, s7, s11, $0xb8;
	[tilespmem:$0xCB80] =	vst v63  }
.Ltmp2:
0x30: {  	s9 =	simm.s32 $0x150;
	(pc) =	sbr.rel .LBB2_2-.Ltmp2, $4  }
0x31: {  	s10 =	simm.s32 $0x4E80;
	s30 =	simm.s32 $0x188;
	s8 =	rddreg [dreg:$0x7]  }
0x32: {  	[tilespmem:s10], [sflag:$0x3] =	stream.indirect.gather [hbm4b:s3+s11], $0x40, s9, s11, $0xb8;
	[tilespmem:$0xCB80] =	vst v63  }
0x33: {  	s31 =	simm.s32 $0x5B00;
	s4 =	simm.s32 $0x0;
	s7 =	rddreg [dreg:$0x6]  }
0x34: {  	[tilespmem:s31], [sflag:$0x3] =	stream.indirect.gather [hbm4b:s3+s11], $0x40, s30, s11, $0xb8;
	[tilespmem:$0xCB80] =	vst v63  }
.LBB2_4:
0x35: {  	_ =	swait.ge [sflag:s25], $0x6400  }
0x36: {  	[sflag:s25] =	ssyncset.done $0x0  }
0x37: {  	[sflag:s25] =	ssyncadd.s32 $0xFFFF9C00  }
0x38: {  	_ =	swait.ge [sflag:s26], $0xC80  }
0x39: {  	[sflag:s26] =	ssyncset.done $0x0  }
0x3a: {  	[sflag:s26] =	ssyncadd.s32 $0xFFFFF380  }
0x3b: {  	_ =	swait.ge [sflag:s26], $0xC80  }
0x3c: {  	[sflag:s26] =	ssyncset.done $0x0  }
0x3d: {  	[sflag:s26] =	ssyncadd.s32 $0xFFFFF380  }
0x3e: {  	_ =	swait.ge [sflag:s26], $0xC80  }
0x3f: {  	[sflag:s26] =	ssyncset.done $0x0  }
0x40: {  	[sflag:s26] =	ssyncadd.s32 $0xFFFFF380  }
0x41: {  	_ =	swait.ge [sflag:s26], $0xC80  }
0x42: {  	[sflag:s26] =	ssyncset.done $0x0  }
0x43: {  	[sflag:s26] =	ssyncadd.s32 $0xFFFFF380  }
0x44: {  	_ =	swait.ge [sflag:s26], $0xC80  }
0x45: {  	[sflag:s26] =	ssyncset.done $0x0  }
0x46: {  	[sflag:s26] =	ssyncadd.s32 $0xFFFFF380  }
0x47: {  	_ =	swait.ge [sflag:s26], $0xC80  }
0x48: {  	[sflag:s26] =	ssyncset.done $0x0  }
0x49: {  	[sflag:s26] =	ssyncadd.s32 $0xFFFFF380  }
0x4a: {  	_ =	swait.ge [sflag:s26], $0xC80  }
0x4b: {  	p0 =	seq.s32 s4, $0x3F;
	[sflag:s26] =	ssyncset.done $0x0  }
0x4c: {  	s0 =	simm.s32 @!p0 $0x1;
	s2 =	simm.s32 @!p0 $0x0;
	[sflag:s26] =	ssyncadd.s32 $0xFFFFF380  }
0x4d: {  	s5 =	simm.s32 @!p0 $0x380;
	p1 =	sgt.u32 @!p0 s4, $0x3D;
	_ =	swait.ge [sflag:s26], $0xC80  }
0x4e: {  	s6 =	simm.s32 @!p0 $0xBF00;
	s10 =	simm.s32 @!p0 $0x8D00;
	[sflag:s26] =	ssyncset.done $0x0  }
0x4f: {  	s30 =	simm.s32 @!p0 $0x6780;
	s9 =	simm.s32 @!p0 $0x8080;
	[sflag:s26] =	ssyncadd.s32 $0xFFFFF380  }
0x50: {  	p2 =	por p1, p0;
	p1 =	por !p1, p0;
	_ =	swait.ge @!p0 [sflag:s0], $0x1C0  }
0x51: {  	s31 =	simm.s32 @!p0 $0x9980;
	s30 =	simm.s32 @p1 $0x6780;
	[sflag:s0] =	ssyncset.done @!p0 $0x0  }
0x52: {  	s9 =	simm.s32 @p1 $0x8080;
	[sflag:s0] =	ssyncadd.s32 @!p0 $0xFFFFFE40;
	s0 =	simm.s32 @!p0 $0x32  }
0x53: {  	[tilespmem:s5], [sflag:$0x3] =	stream.indirect.gather @!p0 [hbm4b:s3+s0], $0x40, s2, s0, $0xb8;
	[tilespmem:$0xCB80] =	vst v63  }
0x54: {  	s10 =	simm.s32 @p1 $0x8D00;
	s2 =	simm.s32 @!p0 $0x38;
	s5 =	simm.s32 @!p0 $0x1000  }
0x55: {  	[tilespmem:s5], [sflag:$0x3] =	stream.indirect.gather @!p0 [hbm4b:s3+s0], $0x40, s2, s0, $0xb8;
	[tilespmem:$0xCB80] =	vst v63  }
0x56: {  	s31 =	simm.s32 @p1 $0x9980;
	s2 =	simm.s32 @!p0 $0x70;
	s5 =	simm.s32 @!p0 $0x1C80  }
0x57: {  	[tilespmem:s5], [sflag:$0x3] =	stream.indirect.gather @!p0 [hbm4b:s3+s0], $0x40, s2, s0, $0xb8;
	[tilespmem:$0xCB80] =	vst v63  }
0x58: {  	s6 =	simm.s32 @p1 $0xBF00;
	s2 =	simm.s32 @!p0 $0xA8;
	s5 =	simm.s32 @!p0 $0x2900  }
0x59: {  	[tilespmem:s5], [sflag:$0x3] =	stream.indirect.gather @!p0 [hbm4b:s3+s0], $0x40, s2, s0, $0xb8;
	[tilespmem:$0xCB80] =	vst v63  }
0x5a: {  	s30 =	simm.s32 @p0 $0x6780;
	s2 =	simm.s32 @!p0 $0xE0;
	s5 =	simm.s32 @!p0 $0x3580  }
0x5b: {  	[tilespmem:s5], [sflag:$0x3] =	stream.indirect.gather @!p0 [hbm4b:s3+s0], $0x40, s2, s0, $0xb8;
	[tilespmem:$0xCB80] =	vst v63  }
0x5c: {  	s9 =	simm.s32 @p0 $0x8080;
	s2 =	simm.s32 @!p0 $0x118;
	s5 =	simm.s32 @!p0 $0x4200  }
0x5d: {  	[tilespmem:s5], [sflag:$0x3] =	stream.indirect.gather @!p0 [hbm4b:s3+s0], $0x40, s2, s0, $0xb8;
	[tilespmem:$0xCB80] =	vst v63  }
0x5e: {  	s10 =	simm.s32 @p0 $0x8D00;
	s2 =	simm.s32 @!p0 $0x150;
	s5 =	simm.s32 @!p0 $0x4E80  }
0x5f: {  	[tilespmem:s5], [sflag:$0x3] =	stream.indirect.gather @!p0 [hbm4b:s3+s0], $0x40, s2, s0, $0xb8;
	[tilespmem:$0xCB80] =	vst v63  }
0x60: {  	s31 =	simm.s32 @p0 $0x9980;
	s2 =	simm.s32 @!p0 $0x188;
	s5 =	simm.s32 @!p0 $0x5B00  }
0x61: {  	[tilespmem:s5], [sflag:$0x3] =	stream.indirect.gather @!p0 [hbm4b:s3+s0], $0x40, s2, s0, $0xb8;
	[tilespmem:$0xCB80] =	vst v63  }
0x62: {  	s6 =	simm.s32 @p0 $0xBF00;
	s0 =	simm.s32 @!p2 $0x0;
	s5 =	simm.s32 @!p2 $0x1C0  }
0x63: {  	[tilespmem:s5], [sflag:$0x2] =	stream.linear.gather @!p2 [hbm4b:s7+s0], $0x1C0, $0x38;
	[tilespmem:$0xCB80] =	vst v63  }
0x64: {  	s2 =	simm.s32 @!p0 $0xA600;
	s5 =	simm.s32 @!p0 $0x7400;
	s0 =	simm.s32 @!p0 $0xB280  }
0x65: {  	s2 =	simm.s32 @p1 $0xA600;
	s5 =	simm.s32 @p1 $0x7400;
	s0 =	simm.s32 @p1 $0xB280  }
0x66: {  	s2 =	simm.s32 @p0 $0xA600;
	s5 =	simm.s32 @p0 $0x7400;
	s0 =	simm.s32 @p0 $0xB280  }
.LBB2_5:
0x67: {  	[hbm4b:s8+s23] =	stream.strided.scatter [tilespmem:s30], [sflag:$0x5], $0xC80, s24, s23, $0x38;
	[tilespmem:$0xCB80] =	vst v63  }
0x68: {  	s30 =	sadd.s32 $0x380, s8  }
0x69: {  	[hbm4b:s30+s23] =	stream.strided.scatter [tilespmem:s5], [sflag:$0x5], $0xC80, s24, s23, $0x38;
	[tilespmem:$0xCB80] =	vst v63  }
0x6a: {  	s30 =	sadd.s32 $0x700, s8  }
0x6b: {  	[hbm4b:s30+s23] =	stream.strided.scatter [tilespmem:s9], [sflag:$0x5], $0xC80, s24, s23, $0x38;
	[tilespmem:$0xCB80] =	vst v63  }
0x6c: {  	s30 =	sadd.s32 $0xA80, s8  }
0x6d: {  	[hbm4b:s30+s23] =	stream.strided.scatter [tilespmem:s10], [sflag:$0x5], $0xC80, s24, s23, $0x38;
	[tilespmem:$0xCB80] =	vst v63  }
0x6e: {  	s4 =	sadd.s32 $0x1, s4;
	s9 =	sadd.s32 $0xE00, s8  }
0x6f: {  	[hbm4b:s9+s23] =	stream.strided.scatter [tilespmem:s31], [sflag:$0x5], $0xC80, s24, s23, $0x38;
	[tilespmem:$0xCB80] =	vst v63  }
0x70: {  	p0 =	sne.s32 s4, $0x40;
	s10 =	sadd.s32 $0x1180, s8  }
0x71: {  	[hbm4b:s10+s23] =	stream.strided.scatter [tilespmem:s2], [sflag:$0x5], $0xC80, s24, s23, $0x38;
	[tilespmem:$0xCB80] =	vst v63  }
.Ltmp3:
0x72: {  	_ = 	snop;
	(pc) =	sbr.rel @!p0 .LBB2_6-.Ltmp3, $4  }
0x73: {  	s30 =	sadd.s32 $0x1500, s8  }
0x74: {  	[hbm4b:s30+s23] =	stream.strided.scatter [tilespmem:s0], [sflag:$0x5], $0xC80, s24, s23, $0x38;
	[tilespmem:$0xCB80] =	vst v63  }
0x75: {  	s7 =	sadd.s32 $0x38, s7;
	s31 =	sadd.s32 $0x1880, s8;
	s8 =	sadd.s32 $0x1C00, s8  }
0x76: {  	[hbm4b:s31+s23] =	stream.strided.scatter [tilespmem:s6], [sflag:$0x5], $0xC80, s24, s23, $0x38;
	[tilespmem:$0xCB80] =	vst v63  }
.LBB2_2:
0x77: {  	s0 =	sand.u32 $0x1, s4  }
0x78: {  	p0 =	seq.s32 s0, $0x1  }
.Ltmp4:
0x79: {  	_ = 	snop;
	(pc) =	sbr.rel @p0 .LBB2_4-.Ltmp4, $1  }
0x7a: {  	_ =	sdelay $0x3  }
0x7b: {  	p0 =	seq.s32 s4, $0x0  }
0x7c: {  	s0 =	simm.s32 @!p0 $0x5  }
0x7d: {  	_ =	swait.ge @!p0 [sflag:s0], $0x6400  }
0x7e: {  	[sflag:s0] =	ssyncset.done @!p0 $0x0  }
0x7f: {  	[sflag:s0] =	ssyncadd.s32 @!p0 $0xFFFF9C00  }
0x80: {  	_ =	swait.ge [sflag:s28], $0xC80  }
0x81: {  	[sflag:s28] =	ssyncset.done $0x0  }
0x82: {  	[sflag:s28] =	ssyncadd.s32 $0xFFFFF380  }
0x83: {  	_ =	swait.ge [sflag:s28], $0xC80  }
0x84: {  	[sflag:s28] =	ssyncset.done $0x0  }
0x85: {  	[sflag:s28] =	ssyncadd.s32 $0xFFFFF380  }
0x86: {  	_ =	swait.ge [sflag:s28], $0xC80  }
0x87: {  	[sflag:s28] =	ssyncset.done $0x0  }
0x88: {  	[sflag:s28] =	ssyncadd.s32 $0xFFFFF380  }
0x89: {  	_ =	swait.ge [sflag:s28], $0xC80  }
0x8a: {  	[sflag:s28] =	ssyncset.done $0x0  }
0x8b: {  	[sflag:s28] =	ssyncadd.s32 $0xFFFFF380  }
0x8c: {  	_ =	swait.ge [sflag:s28], $0xC80  }
0x8d: {  	[sflag:s28] =	ssyncset.done $0x0  }
0x8e: {  	[sflag:s28] =	ssyncadd.s32 $0xFFFFF380  }
0x8f: {  	_ =	swait.ge [sflag:s28], $0xC80  }
0x90: {  	[sflag:s28] =	ssyncset.done $0x0  }
0x91: {  	[sflag:s28] =	ssyncadd.s32 $0xFFFFF380  }
0x92: {  	_ =	swait.ge [sflag:s28], $0xC80  }
0x93: {  	[sflag:s28] =	ssyncset.done $0x0  }
0x94: {  	[sflag:s28] =	ssyncadd.s32 $0xFFFFF380  }
0x95: {  	_ =	swait.ge [sflag:s28], $0xC80  }
0x96: {  	[sflag:s28] =	ssyncset.done $0x0  }
0x97: {  	[sflag:s28] =	ssyncadd.s32 $0xFFFFF380  }
0x98: {  	_ =	swait.ge [sflag:s29], $0x1C0  }
0x99: {  	[sflag:s29] =	ssyncset.done $0x0  }
0x9a: {  	s6 =	simm.s32 $0x1C0;
	s2 =	simm.s32 $0x6780;
	[sflag:s29] =	ssyncadd.s32 $0xFFFFFE40  }
0x9b: {  	[tilespmem:s2], [sflag:$0x4] =	stream.indirect.gather [hbm4b:s3+s11], $0x40, s6, s11, $0xb8;
	[tilespmem:$0xCB80] =	vst v63  }
0x9c: {  	s9 =	simm.s32 $0x1F8;
	s10 =	simm.s32 $0x7400  }
0x9d: {  	[tilespmem:s10], [sflag:$0x4] =	stream.indirect.gather [hbm4b:s3+s11], $0x40, s9, s11, $0xb8;
	[tilespmem:$0xCB80] =	vst v63  }
0x9e: {  	_ = 	snop  }
0x9f: {  	[tilespmem:s12], [sflag:$0x4] =	stream.indirect.gather [hbm4b:s3+s11], $0x40, s1, s11, $0xb8;
	[tilespmem:$0xCB80] =	vst v63  }
0xa0: {  	_ = 	snop  }
0xa1: {  	[tilespmem:s14], [sflag:$0x4] =	stream.indirect.gather [hbm4b:s3+s11], $0x40, s13, s11, $0xb8;
	[tilespmem:$0xCB80] =	vst v63  }
0xa2: {  	_ = 	snop  }
0xa3: {  	[tilespmem:s16], [sflag:$0x4] =	stream.indirect.gather [hbm4b:s3+s11], $0x40, s15, s11, $0xb8;
	[tilespmem:$0xCB80] =	vst v63  }
0xa4: {  	p0 =	sgt.u32 s4, $0x3D  }
0xa5: {  	[tilespmem:s18], [sflag:$0x4] =	stream.indirect.gather [hbm4b:s3+s11], $0x40, s17, s11, $0xb8;
	[tilespmem:$0xCB80] =	vst v63  }
0xa6: {  	s0 =	simm.s32 @!p0 $0x0;
	s5 =	simm.s32 @!p0 $0x1000;
	s30 =	simm.s32 @!p0 $0x380  }
0xa7: {  	[tilespmem:s20], [sflag:$0x4] =	stream.indirect.gather [hbm4b:s3+s11], $0x40, s19, s11, $0xb8;
	[tilespmem:$0xCB80] =	vst v63  }
0xa8: {  	s31 =	simm.s32 @!p0 $0x3580;
	s30 =	simm.s32 @p0 $0x380;
	s5 =	simm.s32 @p0 $0x1000  }
0xa9: {  	[tilespmem:s22], [sflag:$0x4] =	stream.indirect.gather [hbm4b:s3+s11], $0x40, s21, s11, $0xb8;
	[tilespmem:$0xCB80] =	vst v63  }
.Ltmp5:
0xaa: {  	s6 =	simm.s32 @!p0 $0x5B00;
	s2 =	simm.s32 @!p0 $0x4200;
	(pc) =	sbr.rel .LBB2_5-.Ltmp5, $4  }
0xab: {  	s31 =	simm.s32 @p0 $0x3580;
	s2 =	simm.s32 @p0 $0x4200;
	s6 =	simm.s32 @p0 $0x5B00  }
0xac: {  	[tilespmem:s0], [sflag:$0x1] =	stream.linear.gather @!p0 [hbm4b:s7+s0], $0x1C0, $0x38;
	[tilespmem:$0xCB80] =	vst v63  }
0xad: {  	s10 =	simm.s32 @!p0 $0x2900;
	s9 =	simm.s32 @!p0 $0x1C80;
	s0 =	simm.s32 @!p0 $0x4E80  }
0xae: {  	s9 =	simm.s32 @p0 $0x1C80;
	s10 =	simm.s32 @p0 $0x2900;
	s0 =	simm.s32 @p0 $0x4E80  }
.LBB2_7:
0xaf: {  	_ =	sfence.sel $0x180000  }
0xb0: {  	[bflag:$0x0] =	sbarrier.arrive $0xFFFF  }
0xb1: {  	_ =	strace $0x90000047  }
0xb2: {  	s0 =	stileid.u32;
	[bflag:$0x2] =	sbarrier.arrive $0xFFFF  }
0xb3: {  	p0 =	sne.s32 s0, $0x0;
	s0 =	rddreg [dreg:$0x2]  }
0xb4: {  	s0 =	sadd.s32 @!p0 $0x100000, s0  }
0xb5: {  	[sflag:s0] =	ssyncadd.tile.s32 @!p0 $0x1;
	_ =	shalt  }
.Lfunc_end2:
_tile_overlayer_lowered:
.L_overlay_start_2:
0xb6: {  	(tag) =	ssettag $0x2  }
0xb7: {  	s0 =	rddreg [dreg:$0x0];
	s2 =	stileid.u32  }
0xb8: {  	s1 =	rddreg [dreg:$0x1];
	p0 =	sne.s32 s2, $0x0  }
0xb9: {  	s3 =	rddreg [dreg:$0x2];
	[bflag:$0x3] =	sbarrier.arrive $0xFFFF;
	s2 =	simm.s32 @!p0 $0x1C06  }
0xba: {  	[timem:s3], [sflag:s2] =	dma.local @!p0 [hbm:s0], s1  }
0xbb: {  	s0 =	simm.s32 @!p0 $0x6  }
0xbc: {  	_ =	swait.ge @!p0 [sflag:s0], s1  }
0xbd: {  	s1 =	ssub.s32 @!p0 $0x0, s1;
	[sflag:s0] =	ssyncset.done @!p0 $0x0  }
0xbe: {  	[sflag:s0] =	ssyncadd.s32 @!p0 s1  }
0xbf: {  	[bflag:$0x3] =	sbarrier.arrive $0xFFFF  }
0xc0: {  	_ =	shalt  }

// kernel: sparse-core-data-format-call.cloned.1.call-start
scs
called_computation_lowered:
.L_overlay_start_0:
0x0: {  	s2 =	sld [smem:$0x3FD9]  }
0x1: {  	s3 =	sld [smem:$0x3FFE];
	_ =	sdelay $0x1  }
0x2: {  	s1 =	srdreg.scid  }
0x3: {  	s0 =	sand.u32 $0x1, s1  }
0x4: {  	s18 =	sshll.u32 s0, $0xA;
	s2 =	sadd.s32 s3, s2  }
0x5: {  	s2 =	sadd.s32 s2, s18  }
0x6: {  	[smem:$0x3FC6] =	sst s2  }
0x7: {  	_ = 	snop  }
0x8: {  	s2 =	sld [smem:$0x3FD0];
	(tm) =	ssettm $0x1  }
0x9: {  	s19 =	sld [smem:$0x3FFB];
	_ =	sdelay $0x3  }
0xa: {  	_ =	strace s19  }
0xb: {  	s3 =	sld [smem:$0x3FFC];
	_ =	sdelay $0x3  }
0xc: {  	_ =	strace s3  }
0xd: {  	s3 =	sld [smem:$0x3FFD];
	_ =	sdelay $0x3  }
0xe: {  	_ =	strace s3  }
0xf: {  	_ =	strace $0x8FFFFFFF  }
0x10: {  	s20 =	sld [smem:$0x3FDB];
	_ =	sdelay $0x1  }
0x11: {  	s4 =	simm.s32 $_scs_section_size  }
0x12: {  	s5 =	simm.s32 $_size__tile_overlayer_lowered;
	s6 =	simm.s32 $_tile_overlayer_lowered  }
0x13: {  	s23 =	simm.s32 $0x1BFF;
	s22 =	sshll.u32 s6, $0x1;
	s3 =	sadd.s32 s4, s20  }
0x14: {  	s7 =	simm.s32 $0x0;
	s21 =	sshll.u32 s5, $0x1;
	s5 =	sadd.s32 s22, s3  }
0x15: {  	[timem:s7], [sflag:s23] =	dma.local [hbm:s5], s21  }
0x16: {  	_ =	swait.ge [sflag:s23], s21  }
0x17: {  	s4 =	ssub.s32 $0x0, s21;
	[sflag:s23] =	ssyncset.done $0x0  }
0x18: {  	[sflag:s23] =	ssyncadd.s32 s4;
	_ =	sdelay $0x1  }
0x19: {  	s24 =	simm.s32 $0x1B8B  }
0x1a: {  	_ =	swait.ge [sflag:s24], $0x1  }
0x1b: {  	[sflag:s24] =	ssyncset.done $0x0  }
0x1c: {  	s26 =	simm.s32 $0x1B8E;
	s25 =	sld [smem:$0x3FFE];
	[sflag:s24] =	ssyncadd.s32 $0xFFFFFFFF  }
0x1d: {  	s27 =	simm.s32 $execute0_lowered;
	[smem:$0x3FD2] =	sst s26  }
0x1e: {  	s5 =	sshll.u32 s27, $0x1;
	_ =	strace $0x80000049;
	[dreg:$0x1] =	wrdreg $0xFFFFFFFF  }
0x1f: {  	s28 =	simm.s32 $_size_execute0_lowered;
	s3 =	sadd.s32 s3, s5;
	[dreg:$0x0] =	wrdreg $0x0  }
0x20: {  	s5 =	sshll.u32 s28, $0x1;
	[dreg:$0x2] =	wrdreg s3  }
0x21: {  	[dreg:$0x3] =	wrdreg s5  }
0x22: {  	[dreg:$0x4] =	wrdreg $0xC0  }
0x23: {  	_ =	task [dreg:s7], $0x5FFFF  }
0x24: {  	[dreg:$0x1] =	wrdreg $0xFFFFFFFF  }
0x25: {  	[dreg:$0x0] =	wrdreg $0x60  }
0x26: {  	[dreg:$0x2] =	wrdreg s25  }
0x27: {  	[dreg:$0x3] =	wrdreg s2  }
0x28: {  	[dreg:$0x4] =	wrdreg $0x9  }
0x29: {  	_ =	task.clear_ibuf [dreg:s7], $0x5FFFF;
	_ =	strace $0x90000049  }
0x2a: {  	s29 =	simm.s32 $0x9;
	_ =	strace $0x8000004B  }
0x2b: {  	_ =	swait.ge [sflag:s29], $0x1  }
0x2c: {  	[sflag:s29] =	ssyncadd.s32 $0xFFFFFFFF  }
0x2d: {  	_ =	strace $0x9000004B  }
0x2e: {  	_ =	sfence  }
0x2f: {  	s30 =	sld [smem:$0x0];
	_ =	sdelay $0x2  }
0x30: {  	s31 =	sshll.u32 s1, $0xD;
	s1 =	sshrl.u32 s1, $0x2  }
0x31: {  	s3 =	sand.u32 $0x4000, s31;
	s1 =	sadd.s32 s1, s30  }
0x32: {  	s0 =	sor.u32 s3, s0;
	s1 =	sshll.u32 s1, $0x11  }
0x33: {  	s0 =	sor.u32 s1, s0  }
0x34: {  	s0 =	sadd.s32 $0x8F2B, s0  }
0x35: {  	[sflag:s0] =	ssyncadd.remote.s32 $0x1  }
0x36: {  	_ =	sfence.sel $0xFFFF  }
0x37: {  	[dreg:$0x0] =	wrdreg $0xFFFFFFFF;
	(pc) =	sbr.abs _section_cstart, $3  }
0x38: {  	[dreg:$0x1] =	wrdreg $0xFFFFFFFF  }
0x39: {  	_ =	task.clear_ibuf [dreg:s7], $0x2FFFF;
	_ =	strace $0x9FFFFFFF  }
0x3a: {  	(tm) =	ssettm $0x7FFFFFFF  }
0x3b: {  	_ =	shalt  }
tec
execute0_lowered:
.L_overlay_start_1:
0x0: {  	(tag) =	ssettag $0x1  }
0x1: {  	s0 =	srdreg.scid  }
0x2: {  	s1 =	sshll.u32 s0, $0x4  }
0x3: {  	s0 =	stileid.u32;
	s1 =	sand.u32 $0x10, s1  }
0x4: {  	s1 =	sor.u32 s0, s1  }
0x5: {  	s6 =	rddreg [dreg:$0x0];
	s4 =	simm.s32 $0x1;
	s2 =	sshll.u32 s1, $0x7  }
0x6: {  	s7 =	simm.s32 $0x2;
	s12 =	simm.s32 $0x0;
	s1 =	ssub.s32 $0x4000, s2  }
0x7: {  	s8 =	simm.s32 $0x20000;
	s13 =	simm.s32 $0x0;
	s3 =	sand.u32 $0xF80, s1  }
0x8: {  	s9 =	simm.s32 $0x0;
	s5 =	sshrl.u32 s1, $0xC;
	p0 =	sne.s32 s3, $0x0  }
.Ltmp0:
0x9: {  	s1 =	rddreg [dreg:$0x2];
	s4 =	simm.s32 @!p0 $0x0;
	(pc) =	sbr.rel .LBB1_1-.Ltmp0, $4  }
0xa: {  	s11 =	simm.s32 $0x0;
	s3 =	rddreg [dreg:$0x1];
	s5 =	sadd.s32 s4, s5  }
0xb: {  	_ =	strace $0x8000004A;
	s4 =	simm.s32 $0x1;
	s5 =	smul.u32 $0x32, s5  }
0xc: {  	s6 =	sadd.s32 $0xA00, s6;
	s10 =	smov.u32 s2;
	[sflag:s4] =	ssyncpa.u1 $0x0  }
0xd: {  	p0 =	por $0x0, $0x0;
	[sflag:s7] =	ssyncpa.u1 $0x0;
	s7 =	sor.u32 $0x1, s5  }
.LBB1_4:
0xe: {  	s16 =	sshll.u32 s13, $0x3;
	s17 =	sand.u32 $0x78, s13  }
0xf: {  	s30 =	sand.u32 $0x1F800, s13;
	s12 =	sshll.u32 s12, $0x11;
	s16 =	sand.u32 $0x3C00, s16  }
0x10: {  	[tilespmem:s15+$0x810 ss:$0x81] =	vst.msk $0xffff, v2;
	s31 =	sand.u32 $0x7, s13;
	s16 =	sor.u32 s17, s16;
	s17 =	sadd.s32 s3, s30  }
0x11: {  	[tilespmem:s15+$0x1020 ss:$0x81] =	vst.msk $0xffff, v0;
	s13 =	sshll.u32 s31, $0x12;
	s12 =	sadd.s32 s12, s17;
	s16 =	sshrl.u32 s16, $0x3  }
0x12: {  	[tilespmem:s15+$0x0 ss:$0x81] =	vst.msk $0xffff, v1;
	s13 =	sor.u32 $0x400, s13;
	s12 =	sadd.s32 s16, s12  }
0x13: {  	[hbm4b:s12+s13] =	stream.strided.scatter [tilespmem:s14], [sflag:$0x2], $0x2000, s8, s13, $0x20;
	[tilespmem:$0x8080] =	vst v63  }
.LBB1_5:
0x14: {  	s14 =	sadd.s32 $0x1, s9  }
0x15: {  	s12 =	sadd.s32 $0x1000, s10;
	s16 =	smov.u32 s10;
	p2 =	sgt.s32 s14, $0x31  }
0x16: {  	s16 =	smov.u32 @p2 s12  }
0x17: {  	s14 =	simm.s32 @p2 $0x0;
	p2 =	sgt.s32 s16, $0x3FFF  }
0x18: {  	s16 =	smov.u32 @p2 s2;
	p2 =	sne.s32 s11, s7  }
.Ltmp1:
0x19: {  	p1 =	slt.u32 s11, $0x2;
	(pc) =	sbr.rel @!p2 .LBB1_6-.Ltmp1, $4  }
0x1a: {  	s15 =	simm.s32 @!p1 $0x2  }
0x1b: {  	s13 =	smov.u32 s10;
	p0 =	por !p0, !p0;
	_ =	swait.ge @!p1 [sflag:s15], $0x2000  }
0x1c: {  	s12 =	smov.u32 s9;
	[sflag:s15] =	ssyncset.done @!p1 $0x0;
	s9 =	smov.u32 s14  }
0x1d: {  	s11 =	sadd.s32 $0x1, s11;
	[sflag:s15] =	ssyncadd.s32 @!p1 $0xFFFFE000;
	s10 =	smov.u32 s16  }
.LBB1_1:
0x1e: {  	p1 =	sge.u32 s11, s5  }
0x1f: {  	s14 =	sand.u32 @!p1 $0x1FFFFFF, s9  }
0x20: {  	s15 =	smulhi.u32 @!p1 $0x4924925, s14;
	_ =	sdelay $0x1  }
0x21: {  	s15 =	smul.u32 @!p1 $0x38, s15  }
0x22: {  	s16 =	sxor.u32 @!p1 $0xFFFFFFFF, s11;
	s17 =	smul.u32 @!p1 $0x380, s10  }
0x23: {  	s31 =	sadd.s32 $0xFFFFFFFF, s11;
	s16 =	sshll.u32 @!p1 s16, $0xD;
	s14 =	ssub.s32 @!p1 s14, s15  }
0x24: {  	s15 =	sand.u32 @!p1 $0x2000, s16;
	s16 =	sadd.s32 @!p1 s6, s17;
	s14 =	sshll.u32 @!p1 s14, $0x4  }
0x25: {  	s17 =	simm.s32 @!p1 $0x1C00;
	s14 =	sadd.s32 @!p1 s14, s16;
	s16 =	simm.s32 @!p1 $0x40  }
0x26: {  	[tilespmem:s15], [sflag:$0x1] =	stream.strided.gather @!p1 [hbm4b:s14+s16], $0x2000, s17, s16, $0x38;
	[tilespmem:$0x8080] =	vst v63  }
0x27: {  	p1 =	sge.u32 s31, s5  }
.Ltmp2:
0x28: {  	_ = 	snop;
	(pc) =	sbr.rel @p1 .LBB1_5-.Ltmp2, $1  }
0x29: {  	_ =	sdelay $0x3  }
0x2a: {  	s14 =	simm.s32 $0x1  }
0x2b: {  	_ =	swait.ge [sflag:s4], $0x2000;
	s14 =	simm.s32 @!p0 $0x0  }
0x2c: {  	[sflag:s4] =	ssyncset.done $0x0;
	s15 =	sshll.u32 s14, $0xD  }
0x2d: {  	[sflag:s4] =	ssyncadd.s32 $0xFFFFE000;
	s18 =	sor.u32 $0x20, s15  }
0x2e: {  	s14 =	smul.u32 $0x8100, s14;
	v3 =	vld [tilespmem:s18+$0x10]  }
0x2f: {  	s30 =	sand.u32 $0x1, s11;
	v2 =	vld [tilespmem:s18+$0xFFFFFFF0]  }
0x30: {  	s15 =	smul.u32 $0x8100, s30;
	s14 =	sshrl.u32 s14, $0x2;
	v0 =	vld [tilespmem:s18+$0x0]  }
0x31: {  	v1 =	vld [tilespmem:s18+$0xFFFFFFE0];
	s16 =	sor.u32 $0x4000, s14  }
0x32: {  	s31 =	sshrl.u32 s15, $0x2;
	s15 =	sadd.s32 $0x0, s16  }
0x33: {  	s17 =	simm.s32 $0x4;
	s18 =	sadd.s32 $0x40, s18;
	s14 =	sor.u32 $0x4000, s31;
	[tilespmem:s15+$0x1830 ss:$0x81] =	vst.msk $0xffff, v3  }
.LBB1_3:
0x34: {  	v3 =	vld [tilespmem:s18+$0x10];
	p1 =	sne.s32 s17, $0x1FC;
	[tilespmem:s15+$0x810 ss:$0x81] =	vst.msk $0xffff, v2;
	s19 =	smov.u32 s17;
	s17 =	sadd.s32 $0x4, s17  }
.Ltmp3:
0x35: {  	v2 =	vld [tilespmem:s18+$0xFFFFFFF0];
	[tilespmem:s15+$0x1020 ss:$0x81] =	vst.msk $0xffff, v0;
	(pc) =	sbr.rel @p1 .LBB1_3-.Ltmp3, $4  }
0x36: {  	v0 =	vld [tilespmem:s18+$0x0];
	[tilespmem:s15+$0x0 ss:$0x81] =	vst.msk $0xffff, v1  }
0x37: {  	s15 =	sshra.s32 s19, $0x2;
	v1 =	vld [tilespmem:s18+$0xFFFFFFE0]  }
0x38: {  	s15 =	sadd.s32 s15, s16  }
0x39: {  	s18 =	sadd.s32 $0x40, s18;
	[tilespmem:s15+$0x1830 ss:$0x81] =	vst.msk $0xffff, v3  }
.Ltmp4:
0x3a: {  	_ = 	snop;
	(pc) =	sbr.rel .LBB1_4-.Ltmp4, $1  }
0x3b: {  	_ =	sdelay $0x3  }
.LBB1_6:
0x3c: {  	_ =	sfence.sel $0x180000  }
0x3d: {  	s2 =	simm.s32 $0x1;
	[bflag:$0x0] =	sbarrier.arrive $0xFFFF  }
0x3e: {  	s31 =	simm.s32 $0x2;
	[sflag:s2] =	ssyncpa.u1 $0x1  }
0x3f: {  	[sflag:s31] =	ssyncpa.u1 $0x1  }
0x40: {  	p0 =	sne.s32 s0, $0x0;
	_ =	strace $0x9000004A  }
0x41: {  	s0 =	sadd.s32 @!p0 $0x100000, s1;
	[bflag:$0x2] =	sbarrier.arrive $0xFFFF  }
0x42: {  	[sflag:s0] =	ssyncadd.tile.s32 @!p0 $0x1;
	_ =	shalt  }
.Lfunc_end1:
_tile_overlayer_lowered:
.L_overlay_start_2:
0x43: {  	(tag) =	ssettag $0x2  }
0x44: {  	s0 =	rddreg [dreg:$0x0];
	s2 =	stileid.u32  }
0x45: {  	s1 =	rddreg [dreg:$0x1];
	p0 =	sne.s32 s2, $0x0  }
0x46: {  	s3 =	rddreg [dreg:$0x2];
	[bflag:$0x3] =	sbarrier.arrive $0xFFFF;
	s2 =	simm.s32 @!p0 $0x1C01  }
0x47: {  	[timem:s3], [sflag:s2] =	dma.local @!p0 [hbm:s0], s1  }
0x48: {  	s0 =	simm.s32 @!p0 $0x1  }
0x49: {  	_ =	swait.ge @!p0 [sflag:s0], s1  }
0x4a: {  	s1 =	ssub.s32 @!p0 $0x0, s1;
	[sflag:s0] =	ssyncset.done @!p0 $0x0  }
0x4b: {  	[sflag:s0] =	ssyncadd.s32 @!p0 s1  }
0x4c: {  	[bflag:$0x3] =	sbarrier.arrive $0xFFFF  }
0x4d: {  	_ =	shalt  }

</sc_bundles>
